<compile_context>
chip_gen: v7x
topology: tpu7x:2x2x1
jax: 0.10.2.dev20260603
libtpu: 0.0.44.dev20260713+nightly
codegen_flags: <defaults>
</compile_context>

<pallas_src>
import functools

import jax
import jax.numpy as jnp
from jax import lax
from jax.experimental import pallas as pl
from jax.experimental.pallas import tpu as pltpu
from jax.experimental.pallas import tpu_sc as plsc

L = 16
NC = 2
NS = 16
R = 2
HALO = 0


def _jitter_body(B, D, T, H, x_hbm, off_hbm, out_hbm, *refs):
    c = lax.axis_index("c")
    s = lax.axis_index("s")
    w = s * NC + c
    b = w // (NC * NS // B)
    half = w % (NC * NS // B)
    rows = D // (NC * NS // B)
    d0 = half * rows

    idxv = refs[0]
    xb = refs[1:5]
    ob = refs[5:7]
    isems = refs[7:11]
    osems = refs[11:13]
    ngroup = rows // R

    for h in range(T // H):
        seg = h * H
        start = 0 if h == 0 else seg - HALO

        def in_cp(g, slot):
            return pltpu.make_async_copy(
                x_hbm.at[b, pl.ds(d0 + g * R, R), pl.ds(start, H + HALO)],
                xb[slot], isems[slot])

        def out_cp(g, slot):
            return pltpu.make_async_copy(
                ob[slot], out_hbm.at[b, pl.ds(d0 + g * R, R), pl.ds(seg, H)],
                osems[slot])

        in_cp(0, 0).start()
        in_cp(1, 1).start()
        in_cp(2, 2).start()
        pltpu.sync_copy(off_hbm.at[b, pl.ds(seg, H)], idxv)

        @plsc.parallel_loop(0, H // L, unroll=4)
        def mk_idx(i):
            base = i * L
            off = idxv[pl.ds(base, L)]
            gidx = lax.iota(jnp.int32, L) + (seg + base - 1) + off
            gidx = jnp.minimum(jnp.maximum(gidx, 0), T - 1)
            idxv[pl.ds(base, L)] = gidx - start

        def outer(i, carry):
            for k in range(4):
                g = i * 4 + k
                islot = k
                oslot = k % 2

                @pl.when(g + 3 < ngroup)
                def _():
                    in_cp(g + 3, (k + 3) % 4).start()

                in_cp(g, islot).wait()

                @pl.when(g >= 2)
                def _():
                    out_cp(g - 2, oslot).wait()

                @plsc.parallel_loop(0, H // L, unroll=8)
                def chunk(j):
                    base = j * L
                    tv = idxv[pl.ds(base, L)]
                    for r in range(R):
                        rv = jnp.full((L,), r, jnp.int32)
                        ob[oslot][r, pl.ds(base, L)] = plsc.load_gather(
                            xb[islot], [rv, tv])

                out_cp(g, oslot).start()
            return carry

        lax.fori_loop(0, ngroup // 4, outer, 0)
        out_cp(ngroup - 2, 0).wait()
        out_cp(ngroup - 1, 1).wait()


def kernel(x, offsets):
    B, D, T = x.shape
    H = T
    mesh = plsc.VectorSubcoreMesh(core_axis_name="c", subcore_axis_name="s",
                                   num_cores=NC, num_subcores=NS)
    f = pl.kernel(
        functools.partial(_jitter_body, B, D, T, H),
        out_type=jax.ShapeDtypeStruct(x.shape, x.dtype),
        mesh=mesh,
        compiler_params=pltpu.CompilerParams(needs_layout_passes=False),
        scratch_types=(
            [pltpu.VMEM((H,), jnp.int32)] +
            [pltpu.VMEM((R, H + HALO), jnp.float32)] * 4 +
            [pltpu.VMEM((R, H), jnp.float32)] * 2 +
            [pltpu.SemaphoreType.DMA] * 6
        ),
    )
    return f(x, offsets)

# --- scband reference (transcript-rebuilt; emitter-appended) ---
"""Pipeline reference for scband-jitter-59949153517705 (READ-ONLY COPY).

The authoritative reference and input builder live on the scoring server;
editing this copy changes nothing except your own understanding.
"""

import jax, jax.numpy as jnp
import numpy as np

P = 0.5
SIZE = 3
B, D, T = 16, 256, 8192


def setup_inputs(seed: int = 0) -> dict:
    key = jax.random.key(seed)
    kx, ki = jax.random.split(key)
    x = jax.random.normal(kx, (B, D, T), dtype=jnp.float32)
    # Categorical sampling per (batch, time) following the module's buffer `prob`:
    # prob = ones(size) * p / (size - 1); prob[size // 2] = 1 - p
    prob = jnp.ones((SIZE,), dtype=jnp.float32) * P / (SIZE - 1)
    prob = prob.at[SIZE // 2].set(1.0 - P)
    logits = jnp.log(prob)
    offsets = jax.random.categorical(ki, logits, shape=(B, T)).astype(jnp.int32)
    return {"x": x, "offsets": offsets}


def reference(x, offsets):
    # Faithful translation of Jitter.forward in training mode (p != 0):
    #   index = Categorical(prob).sample([B, T]) - size // 2
    #   index += arange(T); index.clamp_(0, T - 1)
    #   x = gather(x, -1, index.unsqueeze(1).expand(-1, dim, -1))
    Tdim = x.shape[-1]
    index = offsets - (SIZE // 2) + jnp.arange(Tdim, dtype=offsets.dtype)
    index = jnp.clip(index, 0, Tdim - 1)
    idx = jnp.broadcast_to(index[:, None, :], x.shape)
    return jnp.take_along_axis(x, idx, axis=-1)

if __name__ == "__main__":
    import jax
    _d = setup_inputs()
    print(jax.jit(kernel)(*tuple(_d.values())))

</pallas_src>

<mosaic_0001>
#map = affine_map<(d0, d1) -> (0, 0, 0)>
#map1 = affine_map<(d0, d1) -> (0, 0)>
module attributes {stable_mosaic.version = 14 : i64} {
  func.func @_jitter_body(%arg0: i32, %arg1: i32, %arg2: memref<16x256x8192xf32, #tpu.memory_space<hbm>>, %arg3: memref<16x8192xi32, #tpu.memory_space<hbm>>, %arg4: memref<16x256x8192xf32, #tpu.memory_space<hbm>>, %arg5: memref<8192xi32, #tpu.memory_space<vmem>>, %arg6: memref<2x8192xf32, #tpu.memory_space<vmem>>, %arg7: memref<2x8192xf32, #tpu.memory_space<vmem>>, %arg8: memref<2x8192xf32, #tpu.memory_space<vmem>>, %arg9: memref<2x8192xf32, #tpu.memory_space<vmem>>, %arg10: memref<2x8192xf32, #tpu.memory_space<vmem>>, %arg11: memref<2x8192xf32, #tpu.memory_space<vmem>>, %arg12: memref<!tpu.dma_semaphore, #tpu.memory_space<semaphore_mem>>, %arg13: memref<!tpu.dma_semaphore, #tpu.memory_space<semaphore_mem>>, %arg14: memref<!tpu.dma_semaphore, #tpu.memory_space<semaphore_mem>>, %arg15: memref<!tpu.dma_semaphore, #tpu.memory_space<semaphore_mem>>, %arg16: memref<!tpu.dma_semaphore, #tpu.memory_space<semaphore_mem>>, %arg17: memref<!tpu.dma_semaphore, #tpu.memory_space<semaphore_mem>>) attributes {dimension_semantics = [#tpu.dimension_semantics<core_parallel>, #tpu.dimension_semantics<subcore_parallel>], iteration_bounds = array<i64: 2, 16>, scalar_prefetch = 0 : i64, scratch_operands = 13 : i64, tpu.core_type = #tpu.core_type<sc_vector_subcore>, window_params = [{transform_indices = #map}, {transform_indices = #map1}, {transform_indices = #map}]} {
    %mul3A = arith.constant 2 : i32
    %mul3A_0 = arith.muli %arg1, %mul3A : i32
    %add3A = arith.addi %mul3A_0, %arg0 : i32
    %jit3A = arith.constant 2 : i32
    %div3A = arith.divsi %add3A, %jit3A : i32
    %sign3A = arith.constant 0 : i32
    %sign3A_1 = arith.cmpi sgt, %add3A, %sign3A : i32
    %sign3A_2 = arith.extui %sign3A_1 : i1 to i32
    %sign3A_3 = arith.constant 0 : i32
    %sign3A_4 = arith.cmpi slt, %add3A, %sign3A_3 : i32
    %sign3A_5 = arith.extui %sign3A_4 : i1 to i32
    %sign3A_6 = arith.subi %sign3A_2, %sign3A_5 : i32
    %sign3A_7 = arith.constant 0 : i32
    %sign3A_8 = arith.cmpi sgt, %jit3A, %sign3A_7 : i32
    %sign3A_9 = arith.extui %sign3A_8 : i1 to i32
    %sign3A_10 = arith.constant 0 : i32
    %sign3A_11 = arith.cmpi slt, %jit3A, %sign3A_10 : i32
    %sign3A_12 = arith.extui %sign3A_11 : i1 to i32
    %sign3A_13 = arith.subi %sign3A_9, %sign3A_12 : i32
    %ne3A = arith.cmpi ne, %sign3A_6, %sign3A_13 : i32
    %rem3A = arith.remsi %add3A, %jit3A : i32
    %ne3A_14 = arith.constant 0 : i32
    %ne3A_15 = arith.cmpi ne, %rem3A, %ne3A_14 : i32
    %and3A = arith.andi %ne3A, %ne3A_15 : i1
    %sub3A = arith.constant 1 : i32
    %sub3A_16 = arith.subi %div3A, %sub3A : i32
    %select_n3A = arith.select %and3A, %sub3A_16, %div3A : i32
    %jit3A_17 = arith.constant 2 : i32
    %eq3A = arith.constant 0 : i32
    %eq3A_18 = arith.cmpi eq, %jit3A_17, %eq3A : i32
    %jit3A_19 = arith.constant 1 : i32
    %select_n3A_20 = arith.select %eq3A_18, %jit3A_19, %jit3A_17 : i32
    %rem3A_21 = arith.remsi %add3A, %select_n3A_20 : i32
    %ne3A_22 = arith.constant 0 : i32
    %ne3A_23 = arith.cmpi ne, %rem3A_21, %ne3A_22 : i32
    %lt3A = arith.constant 0 : i32
    %lt3A_24 = arith.cmpi slt, %rem3A_21, %lt3A : i32
    %lt3A_25 = arith.constant 0 : i32
    %lt3A_26 = arith.cmpi slt, %select_n3A_20, %lt3A_25 : i32
    %ne3A_27 = arith.xori %lt3A_24, %lt3A_26 : i1
    %and3A_28 = arith.andi %ne3A_27, %ne3A_23 : i1
    %add3A_29 = arith.addi %rem3A_21, %select_n3A_20 : i32
    %select_n3A_30 = arith.select %and3A_28, %add3A_29, %rem3A_21 : i32
    %mul3A_31 = arith.constant 128 : i32
    %mul3A_32 = arith.muli %select_n3A_30, %mul3A_31 : i32
    %add3A_33 = arith.constant 0 : i32
    %add3A_34 = arith.addi %mul3A_32, %add3A_33 : i32
    %dma_start3A = arith.constant 0 : i32
    %dma_start3A_35 = tpu.memref_slice %arg2[%select_n3A, %add3A_34, %dma_start3A] : memref<16x256x8192xf32, #tpu.memory_space<hbm>> -> memref<1x2x8192xf32, #tpu.memory_space<hbm>>
    %dma_start3A_36 = tpu.memref_squeeze %dma_start3A_35 : memref<1x2x8192xf32, #tpu.memory_space<hbm>> -> memref<2x8192xf32, #tpu.memory_space<hbm>>
    %dma_start3A_37 = arith.constant 0 : i32
    %dma_start3A_38 = tpu.memref_slice %arg2[%select_n3A, %add3A_34, %dma_start3A_37] : memref<16x256x8192xf32, #tpu.memory_space<hbm>> -> memref<1x2x8192xf32, #tpu.memory_space<hbm>>
    %dma_start3A_39 = tpu.memref_squeeze %dma_start3A_38 : memref<1x2x8192xf32, #tpu.memory_space<hbm>> -> memref<2x8192xf32, #tpu.memory_space<hbm>>
    tpu.enqueue_dma source(%dma_start3A_39 : memref<2x8192xf32, #tpu.memory_space<hbm>>) target(%arg6 : memref<2x8192xf32, #tpu.memory_space<vmem>>) target_semaphore(%arg12 : memref<!tpu.dma_semaphore, #tpu.memory_space<semaphore_mem>>)
    %add3A_40 = arith.constant 2 : i32
    %add3A_41 = arith.addi %mul3A_32, %add3A_40 : i32
    %dma_start3A_42 = arith.constant 0 : i32
    %dma_start3A_43 = tpu.memref_slice %arg2[%select_n3A, %add3A_41, %dma_start3A_42] : memref<16x256x8192xf32, #tpu.memory_space<hbm>> -> memref<1x2x8192xf32, #tpu.memory_space<hbm>>
    %dma_start3A_44 = tpu.memref_squeeze %dma_start3A_43 : memref<1x2x8192xf32, #tpu.memory_space<hbm>> -> memref<2x8192xf32, #tpu.memory_space<hbm>>
    %dma_start3A_45 = arith.constant 0 : i32
    %dma_start3A_46 = tpu.memref_slice %arg2[%select_n3A, %add3A_41, %dma_start3A_45] : memref<16x256x8192xf32, #tpu.memory_space<hbm>> -> memref<1x2x8192xf32, #tpu.memory_space<hbm>>
    %dma_start3A_47 = tpu.memref_squeeze %dma_start3A_46 : memref<1x2x8192xf32, #tpu.memory_space<hbm>> -> memref<2x8192xf32, #tpu.memory_space<hbm>>
    tpu.enqueue_dma source(%dma_start3A_47 : memref<2x8192xf32, #tpu.memory_space<hbm>>) target(%arg7 : memref<2x8192xf32, #tpu.memory_space<vmem>>) target_semaphore(%arg13 : memref<!tpu.dma_semaphore, #tpu.memory_space<semaphore_mem>>)
    %add3A_48 = arith.constant 4 : i32
    %add3A_49 = arith.addi %mul3A_32, %add3A_48 : i32
    %dma_start3A_50 = arith.constant 0 : i32
    %dma_start3A_51 = tpu.memref_slice %arg2[%select_n3A, %add3A_49, %dma_start3A_50] : memref<16x256x8192xf32, #tpu.memory_space<hbm>> -> memref<1x2x8192xf32, #tpu.memory_space<hbm>>
    %dma_start3A_52 = tpu.memref_squeeze %dma_start3A_51 : memref<1x2x8192xf32, #tpu.memory_space<hbm>> -> memref<2x8192xf32, #tpu.memory_space<hbm>>
    %dma_start3A_53 = arith.constant 0 : i32
    %dma_start3A_54 = tpu.memref_slice %arg2[%select_n3A, %add3A_49, %dma_start3A_53] : memref<16x256x8192xf32, #tpu.memory_space<hbm>> -> memref<1x2x8192xf32, #tpu.memory_space<hbm>>
    %dma_start3A_55 = tpu.memref_squeeze %dma_start3A_54 : memref<1x2x8192xf32, #tpu.memory_space<hbm>> -> memref<2x8192xf32, #tpu.memory_space<hbm>>
    tpu.enqueue_dma source(%dma_start3A_55 : memref<2x8192xf32, #tpu.memory_space<hbm>>) target(%arg8 : memref<2x8192xf32, #tpu.memory_space<vmem>>) target_semaphore(%arg14 : memref<!tpu.dma_semaphore, #tpu.memory_space<semaphore_mem>>)
    "tpu.region"() ({
      %run_scoped3A = tpu.sem_alloc : memref<!tpu.dma_semaphore, #tpu.memory_space<semaphore_mem>>
      %dma_start3A_78 = arith.constant 0 : i32
      %dma_start3A_79 = tpu.memref_slice %arg3[%select_n3A, %dma_start3A_78] : memref<16x8192xi32, #tpu.memory_space<hbm>> -> memref<1x8192xi32, #tpu.memory_space<hbm>>
      %dma_start3A_80 = tpu.memref_squeeze %dma_start3A_79 : memref<1x8192xi32, #tpu.memory_space<hbm>> -> memref<8192xi32, #tpu.memory_space<hbm>>
      %dma_start3A_81 = arith.constant 0 : i32
      %dma_start3A_82 = tpu.memref_slice %arg3[%select_n3A, %dma_start3A_81] : memref<16x8192xi32, #tpu.memory_space<hbm>> -> memref<1x8192xi32, #tpu.memory_space<hbm>>
      %dma_start3A_83 = tpu.memref_squeeze %dma_start3A_82 : memref<1x8192xi32, #tpu.memory_space<hbm>> -> memref<8192xi32, #tpu.memory_space<hbm>>
      tpu.enqueue_dma source(%dma_start3A_83 : memref<8192xi32, #tpu.memory_space<hbm>>) target(%arg5 : memref<8192xi32, #tpu.memory_space<vmem>>) target_semaphore(%run_scoped3A : memref<!tpu.dma_semaphore, #tpu.memory_space<semaphore_mem>>)
      %dma_wait3A_84 = arith.constant 0 : i32
      %dma_wait3A_85 = tpu.memref_slice %arg3[%select_n3A, %dma_wait3A_84] : memref<16x8192xi32, #tpu.memory_space<hbm>> -> memref<1x8192xi32, #tpu.memory_space<hbm>>
      %dma_wait3A_86 = tpu.memref_squeeze %dma_wait3A_85 : memref<1x8192xi32, #tpu.memory_space<hbm>> -> memref<8192xi32, #tpu.memory_space<hbm>>
      %dma_wait3A_87 = arith.constant 0 : i32
      %dma_wait3A_88 = tpu.memref_slice %arg3[%select_n3A, %dma_wait3A_87] : memref<16x8192xi32, #tpu.memory_space<hbm>> -> memref<1x8192xi32, #tpu.memory_space<hbm>>
      %dma_wait3A_89 = tpu.memref_squeeze %dma_wait3A_88 : memref<1x8192xi32, #tpu.memory_space<hbm>> -> memref<8192xi32, #tpu.memory_space<hbm>>
      tpu.wait_dma2 semaphore(%run_scoped3A : memref<!tpu.dma_semaphore, #tpu.memory_space<semaphore_mem>>) src(%dma_wait3A_89 : memref<8192xi32, #tpu.memory_space<hbm>>) dst(%arg5 : memref<8192xi32, #tpu.memory_space<vmem>>)
      tpu.yield
    }) : () -> ()
    %parallel_loop3A = arith.constant 0 : i32
    %parallel_loop3A_56 = arith.constant 512 : i32
    %parallel_loop3A_57 = arith.constant 1 : i32
    scf.for %parallel_loop3A_78 = %parallel_loop3A to %parallel_loop3A_56 step %parallel_loop3A_57  : i32 {
      %parallel_loop3A_79 = arith.constant 16 : i32
      %parallel_loop3A_80 = arith.muli %parallel_loop3A_78, %parallel_loop3A_79 : i32
      %parallel_loop3A_81 = arith.index_cast %parallel_loop3A_80 : i32 to index
      %parallel_loop3A_82 = tpu.vector_load %arg5[%parallel_loop3A_81] {strides = array<i32>} : memref<8192xi32, #tpu.memory_space<vmem>>, vector<16xi32>,
      %parallel_loop3A_83 = tpu.iota {dimensions = array<i32: 0>} : vector<16xi32>
      %parallel_loop3A_84 = arith.constant 0 : i32
      %parallel_loop3A_85 = arith.addi %parallel_loop3A_84, %parallel_loop3A_80 : i32
      %parallel_loop3A_86 = arith.constant 1 : i32
      %parallel_loop3A_87 = arith.subi %parallel_loop3A_85, %parallel_loop3A_86 : i32
      %parallel_loop3A_88 = vector.broadcast %parallel_loop3A_87 : i32 to vector<16xi32>
      %parallel_loop3A_89 = arith.addi %parallel_loop3A_83, %parallel_loop3A_88 : vector<16xi32>
      %parallel_loop3A_90 = arith.addi %parallel_loop3A_89, %parallel_loop3A_82 : vector<16xi32>
      %parallel_loop3A_91 = arith.constant 0 : i32
      %parallel_loop3A_92 = vector.broadcast %parallel_loop3A_91 : i32 to vector<16xi32>
      %parallel_loop3A_93 = arith.maxsi %parallel_loop3A_90, %parallel_loop3A_92 : vector<16xi32>
      %parallel_loop3A_94 = arith.constant 8191 : i32
      %parallel_loop3A_95 = vector.broadcast %parallel_loop3A_94 : i32 to vector<16xi32>
      %parallel_loop3A_96 = arith.minsi %parallel_loop3A_93, %parallel_loop3A_95 : vector<16xi32>
      %parallel_loop3A_97 = arith.constant 0 : i32
      %parallel_loop3A_98 = vector.broadcast %parallel_loop3A_97 : i32 to vector<16xi32>
      %parallel_loop3A_99 = arith.subi %parallel_loop3A_96, %parallel_loop3A_98 : vector<16xi32>
      %parallel_loop3A_100 = arith.index_cast %parallel_loop3A_80 : i32 to index
      %parallel_loop3A_101 = tpu.vector_load %arg5[%parallel_loop3A_100] {strides = array<i32>} : memref<8192xi32, #tpu.memory_space<vmem>>, vector<16xi32>,
      tpu.vector_store %arg5[%parallel_loop3A_100], %parallel_loop3A_99 {strides = array<i32>} : memref<8192xi32, #tpu.memory_space<vmem>>, vector<16xi32>,
    } {sc.loop_unroll_factor = 4 : i64, sc.parallel_access}
    %scan3A = arith.constant 0 : i32
    %scan3A_58 = arith.constant 0 : i32
    %scan3A_59 = arith.constant 16 : i32
    %scan3A_60 = arith.addi %scan3A_58, %scan3A_59 : i32
    %scan3A_61 = arith.constant 1 : i32
    scf.for %scan3A_78 = %scan3A_58 to %scan3A_60 step %scan3A_61  : i32 {
      %mul3A_79 = arith.constant 4 : i32
      %mul3A_80 = arith.muli %scan3A_78, %mul3A_79 : i32
      %add3A_81 = arith.constant 0 : i32
      %add3A_82 = arith.addi %mul3A_80, %add3A_81 : i32
      %add3A_83 = arith.constant 3 : i32
      %add3A_84 = arith.addi %add3A_82, %add3A_83 : i32
      %lt3A_85 = arith.constant 64 : i32
      %lt3A_86 = arith.cmpi slt, %add3A_84, %lt3A_85 : i32
      %convert_element_type3A = arith.extui %lt3A_86 : i1 to i32
      %cond3A = arith.constant 0 : i32
      %cond3A_87 = arith.cmpi ne, %convert_element_type3A, %cond3A : i32
      scf.if %cond3A_87 {
        %add3A_224 = arith.constant 3 : i32
        %add3A_225 = arith.addi %add3A_82, %add3A_224 : i32
        %mul3A_226 = arith.constant 2 : i32
        %mul3A_227 = arith.muli %add3A_225, %mul3A_226 : i32
        %add3A_228 = arith.addi %mul3A_32, %mul3A_227 : i32
        %dma_start3A_229 = arith.constant 0 : i32
        %dma_start3A_230 = tpu.memref_slice %arg2[%select_n3A, %add3A_228, %dma_start3A_229] : memref<16x256x8192xf32, #tpu.memory_space<hbm>> -> memref<1x2x8192xf32, #tpu.memory_space<hbm>>
        %dma_start3A_231 = tpu.memref_squeeze %dma_start3A_230 : memref<1x2x8192xf32, #tpu.memory_space<hbm>> -> memref<2x8192xf32, #tpu.memory_space<hbm>>
        %dma_start3A_232 = arith.constant 0 : i32
        %dma_start3A_233 = tpu.memref_slice %arg2[%select_n3A, %add3A_228, %dma_start3A_232] : memref<16x256x8192xf32, #tpu.memory_space<hbm>> -> memref<1x2x8192xf32, #tpu.memory_space<hbm>>
        %dma_start3A_234 = tpu.memref_squeeze %dma_start3A_233 : memref<1x2x8192xf32, #tpu.memory_space<hbm>> -> memref<2x8192xf32, #tpu.memory_space<hbm>>
        tpu.enqueue_dma source(%dma_start3A_234 : memref<2x8192xf32, #tpu.memory_space<hbm>>) target(%arg9 : memref<2x8192xf32, #tpu.memory_space<vmem>>) target_semaphore(%arg15 : memref<!tpu.dma_semaphore, #tpu.memory_space<semaphore_mem>>)
      } else {
      }
      %mul3A_88 = arith.constant 2 : i32
      %mul3A_89 = arith.muli %add3A_82, %mul3A_88 : i32
      %add3A_90 = arith.addi %mul3A_32, %mul3A_89 : i32
      %dma_wait3A_91 = arith.constant 0 : i32
      %dma_wait3A_92 = tpu.memref_slice %arg2[%select_n3A, %add3A_90, %dma_wait3A_91] : memref<16x256x8192xf32, #tpu.memory_space<hbm>> -> memref<1x2x8192xf32, #tpu.memory_space<hbm>>
      %dma_wait3A_93 = tpu.memref_squeeze %dma_wait3A_92 : memref<1x2x8192xf32, #tpu.memory_space<hbm>> -> memref<2x8192xf32, #tpu.memory_space<hbm>>
      %dma_wait3A_94 = arith.constant 0 : i32
      %dma_wait3A_95 = tpu.memref_slice %arg2[%select_n3A, %add3A_90, %dma_wait3A_94] : memref<16x256x8192xf32, #tpu.memory_space<hbm>> -> memref<1x2x8192xf32, #tpu.memory_space<hbm>>
      %dma_wait3A_96 = tpu.memref_squeeze %dma_wait3A_95 : memref<1x2x8192xf32, #tpu.memory_space<hbm>> -> memref<2x8192xf32, #tpu.memory_space<hbm>>
      tpu.wait_dma2 semaphore(%arg12 : memref<!tpu.dma_semaphore, #tpu.memory_space<semaphore_mem>>) src(%dma_wait3A_96 : memref<2x8192xf32, #tpu.memory_space<hbm>>) dst(%arg6 : memref<2x8192xf32, #tpu.memory_space<vmem>>)
      %ge3A = arith.constant 2 : i32
      %ge3A_97 = arith.cmpi sge, %add3A_82, %ge3A : i32
      %convert_element_type3A_98 = arith.extui %ge3A_97 : i1 to i32
      %cond3A_99 = arith.constant 0 : i32
      %cond3A_100 = arith.cmpi ne, %convert_element_type3A_98, %cond3A_99 : i32
      scf.if %cond3A_100 {
        %sub3A_224 = arith.constant 2 : i32
        %sub3A_225 = arith.subi %add3A_82, %sub3A_224 : i32
        %mul3A_226 = arith.constant 2 : i32
        %mul3A_227 = arith.muli %sub3A_225, %mul3A_226 : i32
        %add3A_228 = arith.addi %mul3A_32, %mul3A_227 : i32
        %dma_wait3A_229 = arith.constant 0 : i32
        %dma_wait3A_230 = tpu.memref_slice %arg4[%select_n3A, %add3A_228, %dma_wait3A_229] : memref<16x256x8192xf32, #tpu.memory_space<hbm>> -> memref<1x2x8192xf32, #tpu.memory_space<hbm>>
        %dma_wait3A_231 = tpu.memref_squeeze %dma_wait3A_230 : memref<1x2x8192xf32, #tpu.memory_space<hbm>> -> memref<2x8192xf32, #tpu.memory_space<hbm>>
        %dma_wait3A_232 = arith.constant 0 : i32
        %dma_wait3A_233 = tpu.memref_slice %arg4[%select_n3A, %add3A_228, %dma_wait3A_232] : memref<16x256x8192xf32, #tpu.memory_space<hbm>> -> memref<1x2x8192xf32, #tpu.memory_space<hbm>>
        %dma_wait3A_234 = tpu.memref_squeeze %dma_wait3A_233 : memref<1x2x8192xf32, #tpu.memory_space<hbm>> -> memref<2x8192xf32, #tpu.memory_space<hbm>>
        tpu.wait_dma2 semaphore(%arg16 : memref<!tpu.dma_semaphore, #tpu.memory_space<semaphore_mem>>) src(%arg10 : memref<2x8192xf32, #tpu.memory_space<vmem>>) dst(%dma_wait3A_234 : memref<2x8192xf32, #tpu.memory_space<hbm>>)
      } else {
      }
      %parallel_loop3A_101 = arith.constant 0 : i32
      %parallel_loop3A_102 = arith.constant 512 : i32
      %parallel_loop3A_103 = arith.constant 1 : i32
      scf.for %parallel_loop3A_224 = %parallel_loop3A_101 to %parallel_loop3A_102 step %parallel_loop3A_103  : i32 {
        %parallel_loop3A_225 = arith.constant 16 : i32
        %parallel_loop3A_226 = arith.muli %parallel_loop3A_224, %parallel_loop3A_225 : i32
        %parallel_loop3A_227 = arith.index_cast %parallel_loop3A_226 : i32 to index
        %parallel_loop3A_228 = tpu.vector_load %arg5[%parallel_loop3A_227] {strides = array<i32>} : memref<8192xi32, #tpu.memory_space<vmem>>, vector<16xi32>,
        %parallel_loop3A_229 = arith.constant 0 : i32
        %parallel_loop3A_230 = vector.broadcast %parallel_loop3A_229 : i32 to vector<16xi32>
        %parallel_loop3A_231 = tpu.vector_load_idx %arg6[%parallel_loop3A_230, %parallel_loop3A_228] : memref<2x8192xf32, #tpu.memory_space<vmem>>[vector<16xi32>, vector<16xi32>], vector<16xf32>,
        %parallel_loop3A_232 = arith.constant 0 : i32
        %parallel_loop3A_233 = arith.index_cast %parallel_loop3A_232 : i32 to index
        %parallel_loop3A_234 = arith.index_cast %parallel_loop3A_226 : i32 to index
        %parallel_loop3A_235 = tpu.vector_load %arg10[%parallel_loop3A_233, %parallel_loop3A_234] {strides = array<i32>} : memref<2x8192xf32, #tpu.memory_space<vmem>>, vector<16xf32>,
        tpu.vector_store %arg10[%parallel_loop3A_233, %parallel_loop3A_234], %parallel_loop3A_231 {strides = array<i32>} : memref<2x8192xf32, #tpu.memory_space<vmem>>, vector<16xf32>,
        %parallel_loop3A_236 = arith.constant 1 : i32
        %parallel_loop3A_237 = vector.broadcast %parallel_loop3A_236 : i32 to vector<16xi32>
        %parallel_loop3A_238 = tpu.vector_load_idx %arg6[%parallel_loop3A_237, %parallel_loop3A_228] : memref<2x8192xf32, #tpu.memory_space<vmem>>[vector<16xi32>, vector<16xi32>], vector<16xf32>,
        %parallel_loop3A_239 = arith.constant 1 : i32
        %parallel_loop3A_240 = arith.index_cast %parallel_loop3A_239 : i32 to index
        %parallel_loop3A_241 = arith.index_cast %parallel_loop3A_226 : i32 to index
        %parallel_loop3A_242 = tpu.vector_load %arg10[%parallel_loop3A_240, %parallel_loop3A_241] {strides = array<i32>} : memref<2x8192xf32, #tpu.memory_space<vmem>>, vector<16xf32>,
        tpu.vector_store %arg10[%parallel_loop3A_240, %parallel_loop3A_241], %parallel_loop3A_238 {strides = array<i32>} : memref<2x8192xf32, #tpu.memory_space<vmem>>, vector<16xf32>,
      } {sc.loop_unroll_factor = 8 : i64, sc.parallel_access}
      %mul3A_104 = arith.constant 2 : i32
      %mul3A_105 = arith.muli %add3A_82, %mul3A_104 : i32
      %add3A_106 = arith.addi %mul3A_32, %mul3A_105 : i32
      %dma_start3A_107 = arith.constant 0 : i32
      %dma_start3A_108 = tpu.memref_slice %arg4[%select_n3A, %add3A_106, %dma_start3A_107] : memref<16x256x8192xf32, #tpu.memory_space<hbm>> -> memref<1x2x8192xf32, #tpu.memory_space<hbm>>
      %dma_start3A_109 = tpu.memref_squeeze %dma_start3A_108 : memref<1x2x8192xf32, #tpu.memory_space<hbm>> -> memref<2x8192xf32, #tpu.memory_space<hbm>>
      %dma_start3A_110 = arith.constant 0 : i32
      %dma_start3A_111 = tpu.memref_slice %arg4[%select_n3A, %add3A_106, %dma_start3A_110] : memref<16x256x8192xf32, #tpu.memory_space<hbm>> -> memref<1x2x8192xf32, #tpu.memory_space<hbm>>
      %dma_start3A_112 = tpu.memref_squeeze %dma_start3A_111 : memref<1x2x8192xf32, #tpu.memory_space<hbm>> -> memref<2x8192xf32, #tpu.memory_space<hbm>>
      tpu.enqueue_dma source(%arg10 : memref<2x8192xf32, #tpu.memory_space<vmem>>) target(%dma_start3A_112 : memref<2x8192xf32, #tpu.memory_space<hbm>>) target_semaphore(%arg16 : memref<!tpu.dma_semaphore, #tpu.memory_space<semaphore_mem>>)
      %mul3A_113 = arith.constant 4 : i32
      %mul3A_114 = arith.muli %scan3A_78, %mul3A_113 : i32
      %add3A_115 = arith.constant 1 : i32
      %add3A_116 = arith.addi %mul3A_114, %add3A_115 : i32
      %add3A_117 = arith.constant 3 : i32
      %add3A_118 = arith.addi %add3A_116, %add3A_117 : i32
      %lt3A_119 = arith.constant 64 : i32
      %lt3A_120 = arith.cmpi slt, %add3A_118, %lt3A_119 : i32
      %convert_element_type3A_121 = arith.extui %lt3A_120 : i1 to i32
      %cond3A_122 = arith.constant 0 : i32
      %cond3A_123 = arith.cmpi ne, %convert_element_type3A_121, %cond3A_122 : i32
      scf.if %cond3A_123 {
        %add3A_224 = arith.constant 3 : i32
        %add3A_225 = arith.addi %add3A_116, %add3A_224 : i32
        %mul3A_226 = arith.constant 2 : i32
        %mul3A_227 = arith.muli %add3A_225, %mul3A_226 : i32
        %add3A_228 = arith.addi %mul3A_32, %mul3A_227 : i32
        %dma_start3A_229 = arith.constant 0 : i32
        %dma_start3A_230 = tpu.memref_slice %arg2[%select_n3A, %add3A_228, %dma_start3A_229] : memref<16x256x8192xf32, #tpu.memory_space<hbm>> -> memref<1x2x8192xf32, #tpu.memory_space<hbm>>
        %dma_start3A_231 = tpu.memref_squeeze %dma_start3A_230 : memref<1x2x8192xf32, #tpu.memory_space<hbm>> -> memref<2x8192xf32, #tpu.memory_space<hbm>>
        %dma_start3A_232 = arith.constant 0 : i32
        %dma_start3A_233 = tpu.memref_slice %arg2[%select_n3A, %add3A_228, %dma_start3A_232] : memref<16x256x8192xf32, #tpu.memory_space<hbm>> -> memref<1x2x8192xf32, #tpu.memory_space<hbm>>
        %dma_start3A_234 = tpu.memref_squeeze %dma_start3A_233 : memref<1x2x8192xf32, #tpu.memory_space<hbm>> -> memref<2x8192xf32, #tpu.memory_space<hbm>>
        tpu.enqueue_dma source(%dma_start3A_234 : memref<2x8192xf32, #tpu.memory_space<hbm>>) target(%arg6 : memref<2x8192xf32, #tpu.memory_space<vmem>>) target_semaphore(%arg12 : memref<!tpu.dma_semaphore, #tpu.memory_space<semaphore_mem>>)
      } else {
      }
      %mul3A_124 = arith.constant 2 : i32
      %mul3A_125 = arith.muli %add3A_116, %mul3A_124 : i32
      %add3A_126 = arith.addi %mul3A_32, %mul3A_125 : i32
      %dma_wait3A_127 = arith.constant 0 : i32
      %dma_wait3A_128 = tpu.memref_slice %arg2[%select_n3A, %add3A_126, %dma_wait3A_127] : memref<16x256x8192xf32, #tpu.memory_space<hbm>> -> memref<1x2x8192xf32, #tpu.memory_space<hbm>>
      %dma_wait3A_129 = tpu.memref_squeeze %dma_wait3A_128 : memref<1x2x8192xf32, #tpu.memory_space<hbm>> -> memref<2x8192xf32, #tpu.memory_space<hbm>>
      %dma_wait3A_130 = arith.constant 0 : i32
      %dma_wait3A_131 = tpu.memref_slice %arg2[%select_n3A, %add3A_126, %dma_wait3A_130] : memref<16x256x8192xf32, #tpu.memory_space<hbm>> -> memref<1x2x8192xf32, #tpu.memory_space<hbm>>
      %dma_wait3A_132 = tpu.memref_squeeze %dma_wait3A_131 : memref<1x2x8192xf32, #tpu.memory_space<hbm>> -> memref<2x8192xf32, #tpu.memory_space<hbm>>
      tpu.wait_dma2 semaphore(%arg13 : memref<!tpu.dma_semaphore, #tpu.memory_space<semaphore_mem>>) src(%dma_wait3A_132 : memref<2x8192xf32, #tpu.memory_space<hbm>>) dst(%arg7 : memref<2x8192xf32, #tpu.memory_space<vmem>>)
      %ge3A_133 = arith.constant 2 : i32
      %ge3A_134 = arith.cmpi sge, %add3A_116, %ge3A_133 : i32
      %convert_element_type3A_135 = arith.extui %ge3A_134 : i1 to i32
      %cond3A_136 = arith.constant 0 : i32
      %cond3A_137 = arith.cmpi ne, %convert_element_type3A_135, %cond3A_136 : i32
      scf.if %cond3A_137 {
        %sub3A_224 = arith.constant 2 : i32
        %sub3A_225 = arith.subi %add3A_116, %sub3A_224 : i32
        %mul3A_226 = arith.constant 2 : i32
        %mul3A_227 = arith.muli %sub3A_225, %mul3A_226 : i32
        %add3A_228 = arith.addi %mul3A_32, %mul3A_227 : i32
        %dma_wait3A_229 = arith.constant 0 : i32
        %dma_wait3A_230 = tpu.memref_slice %arg4[%select_n3A, %add3A_228, %dma_wait3A_229] : memref<16x256x8192xf32, #tpu.memory_space<hbm>> -> memref<1x2x8192xf32, #tpu.memory_space<hbm>>
        %dma_wait3A_231 = tpu.memref_squeeze %dma_wait3A_230 : memref<1x2x8192xf32, #tpu.memory_space<hbm>> -> memref<2x8192xf32, #tpu.memory_space<hbm>>
        %dma_wait3A_232 = arith.constant 0 : i32
        %dma_wait3A_233 = tpu.memref_slice %arg4[%select_n3A, %add3A_228, %dma_wait3A_232] : memref<16x256x8192xf32, #tpu.memory_space<hbm>> -> memref<1x2x8192xf32, #tpu.memory_space<hbm>>
        %dma_wait3A_234 = tpu.memref_squeeze %dma_wait3A_233 : memref<1x2x8192xf32, #tpu.memory_space<hbm>> -> memref<2x8192xf32, #tpu.memory_space<hbm>>
        tpu.wait_dma2 semaphore(%arg17 : memref<!tpu.dma_semaphore, #tpu.memory_space<semaphore_mem>>) src(%arg11 : memref<2x8192xf32, #tpu.memory_space<vmem>>) dst(%dma_wait3A_234 : memref<2x8192xf32, #tpu.memory_space<hbm>>)
      } else {
      }
      %parallel_loop3A_138 = arith.constant 0 : i32
      %parallel_loop3A_139 = arith.constant 512 : i32
      %parallel_loop3A_140 = arith.constant 1 : i32
      scf.for %parallel_loop3A_224 = %parallel_loop3A_138 to %parallel_loop3A_139 step %parallel_loop3A_140  : i32 {
        %parallel_loop3A_225 = arith.constant 16 : i32
        %parallel_loop3A_226 = arith.muli %parallel_loop3A_224, %parallel_loop3A_225 : i32
        %parallel_loop3A_227 = arith.index_cast %parallel_loop3A_226 : i32 to index
        %parallel_loop3A_228 = tpu.vector_load %arg5[%parallel_loop3A_227] {strides = array<i32>} : memref<8192xi32, #tpu.memory_space<vmem>>, vector<16xi32>,
        %parallel_loop3A_229 = arith.constant 0 : i32
        %parallel_loop3A_230 = vector.broadcast %parallel_loop3A_229 : i32 to vector<16xi32>
        %parallel_loop3A_231 = tpu.vector_load_idx %arg7[%parallel_loop3A_230, %parallel_loop3A_228] : memref<2x8192xf32, #tpu.memory_space<vmem>>[vector<16xi32>, vector<16xi32>], vector<16xf32>,
        %parallel_loop3A_232 = arith.constant 0 : i32
        %parallel_loop3A_233 = arith.index_cast %parallel_loop3A_232 : i32 to index
        %parallel_loop3A_234 = arith.index_cast %parallel_loop3A_226 : i32 to index
        %parallel_loop3A_235 = tpu.vector_load %arg11[%parallel_loop3A_233, %parallel_loop3A_234] {strides = array<i32>} : memref<2x8192xf32, #tpu.memory_space<vmem>>, vector<16xf32>,
        tpu.vector_store %arg11[%parallel_loop3A_233, %parallel_loop3A_234], %parallel_loop3A_231 {strides = array<i32>} : memref<2x8192xf32, #tpu.memory_space<vmem>>, vector<16xf32>,
        %parallel_loop3A_236 = arith.constant 1 : i32
        %parallel_loop3A_237 = vector.broadcast %parallel_loop3A_236 : i32 to vector<16xi32>
        %parallel_loop3A_238 = tpu.vector_load_idx %arg7[%parallel_loop3A_237, %parallel_loop3A_228] : memref<2x8192xf32, #tpu.memory_space<vmem>>[vector<16xi32>, vector<16xi32>], vector<16xf32>,
        %parallel_loop3A_239 = arith.constant 1 : i32
        %parallel_loop3A_240 = arith.index_cast %parallel_loop3A_239 : i32 to index
        %parallel_loop3A_241 = arith.index_cast %parallel_loop3A_226 : i32 to index
        %parallel_loop3A_242 = tpu.vector_load %arg11[%parallel_loop3A_240, %parallel_loop3A_241] {strides = array<i32>} : memref<2x8192xf32, #tpu.memory_space<vmem>>, vector<16xf32>,
        tpu.vector_store %arg11[%parallel_loop3A_240, %parallel_loop3A_241], %parallel_loop3A_238 {strides = array<i32>} : memref<2x8192xf32, #tpu.memory_space<vmem>>, vector<16xf32>,
      } {sc.loop_unroll_factor = 8 : i64, sc.parallel_access}
      %mul3A_141 = arith.constant 2 : i32
      %mul3A_142 = arith.muli %add3A_116, %mul3A_141 : i32
      %add3A_143 = arith.addi %mul3A_32, %mul3A_142 : i32
      %dma_start3A_144 = arith.constant 0 : i32
      %dma_start3A_145 = tpu.memref_slice %arg4[%select_n3A, %add3A_143, %dma_start3A_144] : memref<16x256x8192xf32, #tpu.memory_space<hbm>> -> memref<1x2x8192xf32, #tpu.memory_space<hbm>>
      %dma_start3A_146 = tpu.memref_squeeze %dma_start3A_145 : memref<1x2x8192xf32, #tpu.memory_space<hbm>> -> memref<2x8192xf32, #tpu.memory_space<hbm>>
      %dma_start3A_147 = arith.constant 0 : i32
      %dma_start3A_148 = tpu.memref_slice %arg4[%select_n3A, %add3A_143, %dma_start3A_147] : memref<16x256x8192xf32, #tpu.memory_space<hbm>> -> memref<1x2x8192xf32, #tpu.memory_space<hbm>>
      %dma_start3A_149 = tpu.memref_squeeze %dma_start3A_148 : memref<1x2x8192xf32, #tpu.memory_space<hbm>> -> memref<2x8192xf32, #tpu.memory_space<hbm>>
      tpu.enqueue_dma source(%arg11 : memref<2x8192xf32, #tpu.memory_space<vmem>>) target(%dma_start3A_149 : memref<2x8192xf32, #tpu.memory_space<hbm>>) target_semaphore(%arg17 : memref<!tpu.dma_semaphore, #tpu.memory_space<semaphore_mem>>)
      %mul3A_150 = arith.constant 4 : i32
      %mul3A_151 = arith.muli %scan3A_78, %mul3A_150 : i32
      %add3A_152 = arith.constant 2 : i32
      %add3A_153 = arith.addi %mul3A_151, %add3A_152 : i32
      %add3A_154 = arith.constant 3 : i32
      %add3A_155 = arith.addi %add3A_153, %add3A_154 : i32
      %lt3A_156 = arith.constant 64 : i32
      %lt3A_157 = arith.cmpi slt, %add3A_155, %lt3A_156 : i32
      %convert_element_type3A_158 = arith.extui %lt3A_157 : i1 to i32
      %cond3A_159 = arith.constant 0 : i32
      %cond3A_160 = arith.cmpi ne, %convert_element_type3A_158, %cond3A_159 : i32
      scf.if %cond3A_160 {
        %add3A_224 = arith.constant 3 : i32
        %add3A_225 = arith.addi %add3A_153, %add3A_224 : i32
        %mul3A_226 = arith.constant 2 : i32
        %mul3A_227 = arith.muli %add3A_225, %mul3A_226 : i32
        %add3A_228 = arith.addi %mul3A_32, %mul3A_227 : i32
        %dma_start3A_229 = arith.constant 0 : i32
        %dma_start3A_230 = tpu.memref_slice %arg2[%select_n3A, %add3A_228, %dma_start3A_229] : memref<16x256x8192xf32, #tpu.memory_space<hbm>> -> memref<1x2x8192xf32, #tpu.memory_space<hbm>>
        %dma_start3A_231 = tpu.memref_squeeze %dma_start3A_230 : memref<1x2x8192xf32, #tpu.memory_space<hbm>> -> memref<2x8192xf32, #tpu.memory_space<hbm>>
        %dma_start3A_232 = arith.constant 0 : i32
        %dma_start3A_233 = tpu.memref_slice %arg2[%select_n3A, %add3A_228, %dma_start3A_232] : memref<16x256x8192xf32, #tpu.memory_space<hbm>> -> memref<1x2x8192xf32, #tpu.memory_space<hbm>>
        %dma_start3A_234 = tpu.memref_squeeze %dma_start3A_233 : memref<1x2x8192xf32, #tpu.memory_space<hbm>> -> memref<2x8192xf32, #tpu.memory_space<hbm>>
        tpu.enqueue_dma source(%dma_start3A_234 : memref<2x8192xf32, #tpu.memory_space<hbm>>) target(%arg7 : memref<2x8192xf32, #tpu.memory_space<vmem>>) target_semaphore(%arg13 : memref<!tpu.dma_semaphore, #tpu.memory_space<semaphore_mem>>)
      } else {
      }
      %mul3A_161 = arith.constant 2 : i32
      %mul3A_162 = arith.muli %add3A_153, %mul3A_161 : i32
      %add3A_163 = arith.addi %mul3A_32, %mul3A_162 : i32
      %dma_wait3A_164 = arith.constant 0 : i32
      %dma_wait3A_165 = tpu.memref_slice %arg2[%select_n3A, %add3A_163, %dma_wait3A_164] : memref<16x256x8192xf32, #tpu.memory_space<hbm>> -> memref<1x2x8192xf32, #tpu.memory_space<hbm>>
      %dma_wait3A_166 = tpu.memref_squeeze %dma_wait3A_165 : memref<1x2x8192xf32, #tpu.memory_space<hbm>> -> memref<2x8192xf32, #tpu.memory_space<hbm>>
      %dma_wait3A_167 = arith.constant 0 : i32
      %dma_wait3A_168 = tpu.memref_slice %arg2[%select_n3A, %add3A_163, %dma_wait3A_167] : memref<16x256x8192xf32, #tpu.memory_space<hbm>> -> memref<1x2x8192xf32, #tpu.memory_space<hbm>>
      %dma_wait3A_169 = tpu.memref_squeeze %dma_wait3A_168 : memref<1x2x8192xf32, #tpu.memory_space<hbm>> -> memref<2x8192xf32, #tpu.memory_space<hbm>>
      tpu.wait_dma2 semaphore(%arg14 : memref<!tpu.dma_semaphore, #tpu.memory_space<semaphore_mem>>) src(%dma_wait3A_169 : memref<2x8192xf32, #tpu.memory_space<hbm>>) dst(%arg8 : memref<2x8192xf32, #tpu.memory_space<vmem>>)
      %ge3A_170 = arith.constant 2 : i32
      %ge3A_171 = arith.cmpi sge, %add3A_153, %ge3A_170 : i32
      %convert_element_type3A_172 = arith.extui %ge3A_171 : i1 to i32
      %cond3A_173 = arith.constant 0 : i32
      %cond3A_174 = arith.cmpi ne, %convert_element_type3A_172, %cond3A_173 : i32
      scf.if %cond3A_174 {
        %sub3A_224 = arith.constant 2 : i32
        %sub3A_225 = arith.subi %add3A_153, %sub3A_224 : i32
        %mul3A_226 = arith.constant 2 : i32
        %mul3A_227 = arith.muli %sub3A_225, %mul3A_226 : i32
        %add3A_228 = arith.addi %mul3A_32, %mul3A_227 : i32
        %dma_wait3A_229 = arith.constant 0 : i32
        %dma_wait3A_230 = tpu.memref_slice %arg4[%select_n3A, %add3A_228, %dma_wait3A_229] : memref<16x256x8192xf32, #tpu.memory_space<hbm>> -> memref<1x2x8192xf32, #tpu.memory_space<hbm>>
        %dma_wait3A_231 = tpu.memref_squeeze %dma_wait3A_230 : memref<1x2x8192xf32, #tpu.memory_space<hbm>> -> memref<2x8192xf32, #tpu.memory_space<hbm>>
        %dma_wait3A_232 = arith.constant 0 : i32
        %dma_wait3A_233 = tpu.memref_slice %arg4[%select_n3A, %add3A_228, %dma_wait3A_232] : memref<16x256x8192xf32, #tpu.memory_space<hbm>> -> memref<1x2x8192xf32, #tpu.memory_space<hbm>>
        %dma_wait3A_234 = tpu.memref_squeeze %dma_wait3A_233 : memref<1x2x8192xf32, #tpu.memory_space<hbm>> -> memref<2x8192xf32, #tpu.memory_space<hbm>>
        tpu.wait_dma2 semaphore(%arg16 : memref<!tpu.dma_semaphore, #tpu.memory_space<semaphore_mem>>) src(%arg10 : memref<2x8192xf32, #tpu.memory_space<vmem>>) dst(%dma_wait3A_234 : memref<2x8192xf32, #tpu.memory_space<hbm>>)
      } else {
      }
      %parallel_loop3A_175 = arith.constant 0 : i32
      %parallel_loop3A_176 = arith.constant 512 : i32
      %parallel_loop3A_177 = arith.constant 1 : i32
      scf.for %parallel_loop3A_224 = %parallel_loop3A_175 to %parallel_loop3A_176 step %parallel_loop3A_177  : i32 {
        %parallel_loop3A_225 = arith.constant 16 : i32
        %parallel_loop3A_226 = arith.muli %parallel_loop3A_224, %parallel_loop3A_225 : i32
        %parallel_loop3A_227 = arith.index_cast %parallel_loop3A_226 : i32 to index
        %parallel_loop3A_228 = tpu.vector_load %arg5[%parallel_loop3A_227] {strides = array<i32>} : memref<8192xi32, #tpu.memory_space<vmem>>, vector<16xi32>,
        %parallel_loop3A_229 = arith.constant 0 : i32
        %parallel_loop3A_230 = vector.broadcast %parallel_loop3A_229 : i32 to vector<16xi32>
        %parallel_loop3A_231 = tpu.vector_load_idx %arg8[%parallel_loop3A_230, %parallel_loop3A_228] : memref<2x8192xf32, #tpu.memory_space<vmem>>[vector<16xi32>, vector<16xi32>], vector<16xf32>,
        %parallel_loop3A_232 = arith.constant 0 : i32
        %parallel_loop3A_233 = arith.index_cast %parallel_loop3A_232 : i32 to index
        %parallel_loop3A_234 = arith.index_cast %parallel_loop3A_226 : i32 to index
        %parallel_loop3A_235 = tpu.vector_load %arg10[%parallel_loop3A_233, %parallel_loop3A_234] {strides = array<i32>} : memref<2x8192xf32, #tpu.memory_space<vmem>>, vector<16xf32>,
        tpu.vector_store %arg10[%parallel_loop3A_233, %parallel_loop3A_234], %parallel_loop3A_231 {strides = array<i32>} : memref<2x8192xf32, #tpu.memory_space<vmem>>, vector<16xf32>,
        %parallel_loop3A_236 = arith.constant 1 : i32
        %parallel_loop3A_237 = vector.broadcast %parallel_loop3A_236 : i32 to vector<16xi32>
        %parallel_loop3A_238 = tpu.vector_load_idx %arg8[%parallel_loop3A_237, %parallel_loop3A_228] : memref<2x8192xf32, #tpu.memory_space<vmem>>[vector<16xi32>, vector<16xi32>], vector<16xf32>,
        %parallel_loop3A_239 = arith.constant 1 : i32
        %parallel_loop3A_240 = arith.index_cast %parallel_loop3A_239 : i32 to index
        %parallel_loop3A_241 = arith.index_cast %parallel_loop3A_226 : i32 to index
        %parallel_loop3A_242 = tpu.vector_load %arg10[%parallel_loop3A_240, %parallel_loop3A_241] {strides = array<i32>} : memref<2x8192xf32, #tpu.memory_space<vmem>>, vector<16xf32>,
        tpu.vector_store %arg10[%parallel_loop3A_240, %parallel_loop3A_241], %parallel_loop3A_238 {strides = array<i32>} : memref<2x8192xf32, #tpu.memory_space<vmem>>, vector<16xf32>,
      } {sc.loop_unroll_factor = 8 : i64, sc.parallel_access}
      %mul3A_178 = arith.constant 2 : i32
      %mul3A_179 = arith.muli %add3A_153, %mul3A_178 : i32
      %add3A_180 = arith.addi %mul3A_32, %mul3A_179 : i32
      %dma_start3A_181 = arith.constant 0 : i32
      %dma_start3A_182 = tpu.memref_slice %arg4[%select_n3A, %add3A_180, %dma_start3A_181] : memref<16x256x8192xf32, #tpu.memory_space<hbm>> -> memref<1x2x8192xf32, #tpu.memory_space<hbm>>
      %dma_start3A_183 = tpu.memref_squeeze %dma_start3A_182 : memref<1x2x8192xf32, #tpu.memory_space<hbm>> -> memref<2x8192xf32, #tpu.memory_space<hbm>>
      %dma_start3A_184 = arith.constant 0 : i32
      %dma_start3A_185 = tpu.memref_slice %arg4[%select_n3A, %add3A_180, %dma_start3A_184] : memref<16x256x8192xf32, #tpu.memory_space<hbm>> -> memref<1x2x8192xf32, #tpu.memory_space<hbm>>
      %dma_start3A_186 = tpu.memref_squeeze %dma_start3A_185 : memref<1x2x8192xf32, #tpu.memory_space<hbm>> -> memref<2x8192xf32, #tpu.memory_space<hbm>>
      tpu.enqueue_dma source(%arg10 : memref<2x8192xf32, #tpu.memory_space<vmem>>) target(%dma_start3A_186 : memref<2x8192xf32, #tpu.memory_space<hbm>>) target_semaphore(%arg16 : memref<!tpu.dma_semaphore, #tpu.memory_space<semaphore_mem>>)
      %mul3A_187 = arith.constant 4 : i32
      %mul3A_188 = arith.muli %scan3A_78, %mul3A_187 : i32
      %add3A_189 = arith.constant 3 : i32
      %add3A_190 = arith.addi %mul3A_188, %add3A_189 : i32
      %add3A_191 = arith.constant 3 : i32
      %add3A_192 = arith.addi %add3A_190, %add3A_191 : i32
      %lt3A_193 = arith.constant 64 : i32
      %lt3A_194 = arith.cmpi slt, %add3A_192, %lt3A_193 : i32
      %convert_element_type3A_195 = arith.extui %lt3A_194 : i1 to i32
      %cond3A_196 = arith.constant 0 : i32
      %cond3A_197 = arith.cmpi ne, %convert_element_type3A_195, %cond3A_196 : i32
      scf.if %cond3A_197 {
        %add3A_224 = arith.constant 3 : i32
        %add3A_225 = arith.addi %add3A_190, %add3A_224 : i32
        %mul3A_226 = arith.constant 2 : i32
        %mul3A_227 = arith.muli %add3A_225, %mul3A_226 : i32
        %add3A_228 = arith.addi %mul3A_32, %mul3A_227 : i32
        %dma_start3A_229 = arith.constant 0 : i32
        %dma_start3A_230 = tpu.memref_slice %arg2[%select_n3A, %add3A_228, %dma_start3A_229] : memref<16x256x8192xf32, #tpu.memory_space<hbm>> -> memref<1x2x8192xf32, #tpu.memory_space<hbm>>
        %dma_start3A_231 = tpu.memref_squeeze %dma_start3A_230 : memref<1x2x8192xf32, #tpu.memory_space<hbm>> -> memref<2x8192xf32, #tpu.memory_space<hbm>>
        %dma_start3A_232 = arith.constant 0 : i32
        %dma_start3A_233 = tpu.memref_slice %arg2[%select_n3A, %add3A_228, %dma_start3A_232] : memref<16x256x8192xf32, #tpu.memory_space<hbm>> -> memref<1x2x8192xf32, #tpu.memory_space<hbm>>
        %dma_start3A_234 = tpu.memref_squeeze %dma_start3A_233 : memref<1x2x8192xf32, #tpu.memory_space<hbm>> -> memref<2x8192xf32, #tpu.memory_space<hbm>>
        tpu.enqueue_dma source(%dma_start3A_234 : memref<2x8192xf32, #tpu.memory_space<hbm>>) target(%arg8 : memref<2x8192xf32, #tpu.memory_space<vmem>>) target_semaphore(%arg14 : memref<!tpu.dma_semaphore, #tpu.memory_space<semaphore_mem>>)
      } else {
      }
      %mul3A_198 = arith.constant 2 : i32
      %mul3A_199 = arith.muli %add3A_190, %mul3A_198 : i32
      %add3A_200 = arith.addi %mul3A_32, %mul3A_199 : i32
      %dma_wait3A_201 = arith.constant 0 : i32
      %dma_wait3A_202 = tpu.memref_slice %arg2[%select_n3A, %add3A_200, %dma_wait3A_201] : memref<16x256x8192xf32, #tpu.memory_space<hbm>> -> memref<1x2x8192xf32, #tpu.memory_space<hbm>>
      %dma_wait3A_203 = tpu.memref_squeeze %dma_wait3A_202 : memref<1x2x8192xf32, #tpu.memory_space<hbm>> -> memref<2x8192xf32, #tpu.memory_space<hbm>>
      %dma_wait3A_204 = arith.constant 0 : i32
      %dma_wait3A_205 = tpu.memref_slice %arg2[%select_n3A, %add3A_200, %dma_wait3A_204] : memref<16x256x8192xf32, #tpu.memory_space<hbm>> -> memref<1x2x8192xf32, #tpu.memory_space<hbm>>
      %dma_wait3A_206 = tpu.memref_squeeze %dma_wait3A_205 : memref<1x2x8192xf32, #tpu.memory_space<hbm>> -> memref<2x8192xf32, #tpu.memory_space<hbm>>
      tpu.wait_dma2 semaphore(%arg15 : memref<!tpu.dma_semaphore, #tpu.memory_space<semaphore_mem>>) src(%dma_wait3A_206 : memref<2x8192xf32, #tpu.memory_space<hbm>>) dst(%arg9 : memref<2x8192xf32, #tpu.memory_space<vmem>>)
      %ge3A_207 = arith.constant 2 : i32
      %ge3A_208 = arith.cmpi sge, %add3A_190, %ge3A_207 : i32
      %convert_element_type3A_209 = arith.extui %ge3A_208 : i1 to i32
      %cond3A_210 = arith.constant 0 : i32
      %cond3A_211 = arith.cmpi ne, %convert_element_type3A_209, %cond3A_210 : i32
      scf.if %cond3A_211 {
        %sub3A_224 = arith.constant 2 : i32
        %sub3A_225 = arith.subi %add3A_190, %sub3A_224 : i32
        %mul3A_226 = arith.constant 2 : i32
        %mul3A_227 = arith.muli %sub3A_225, %mul3A_226 : i32
        %add3A_228 = arith.addi %mul3A_32, %mul3A_227 : i32
        %dma_wait3A_229 = arith.constant 0 : i32
        %dma_wait3A_230 = tpu.memref_slice %arg4[%select_n3A, %add3A_228, %dma_wait3A_229] : memref<16x256x8192xf32, #tpu.memory_space<hbm>> -> memref<1x2x8192xf32, #tpu.memory_space<hbm>>
        %dma_wait3A_231 = tpu.memref_squeeze %dma_wait3A_230 : memref<1x2x8192xf32, #tpu.memory_space<hbm>> -> memref<2x8192xf32, #tpu.memory_space<hbm>>
        %dma_wait3A_232 = arith.constant 0 : i32
        %dma_wait3A_233 = tpu.memref_slice %arg4[%select_n3A, %add3A_228, %dma_wait3A_232] : memref<16x256x8192xf32, #tpu.memory_space<hbm>> -> memref<1x2x8192xf32, #tpu.memory_space<hbm>>
        %dma_wait3A_234 = tpu.memref_squeeze %dma_wait3A_233 : memref<1x2x8192xf32, #tpu.memory_space<hbm>> -> memref<2x8192xf32, #tpu.memory_space<hbm>>
        tpu.wait_dma2 semaphore(%arg17 : memref<!tpu.dma_semaphore, #tpu.memory_space<semaphore_mem>>) src(%arg11 : memref<2x8192xf32, #tpu.memory_space<vmem>>) dst(%dma_wait3A_234 : memref<2x8192xf32, #tpu.memory_space<hbm>>)
      } else {
      }
      %parallel_loop3A_212 = arith.constant 0 : i32
      %parallel_loop3A_213 = arith.constant 512 : i32
      %parallel_loop3A_214 = arith.constant 1 : i32
      scf.for %parallel_loop3A_224 = %parallel_loop3A_212 to %parallel_loop3A_213 step %parallel_loop3A_214  : i32 {
        %parallel_loop3A_225 = arith.constant 16 : i32
        %parallel_loop3A_226 = arith.muli %parallel_loop3A_224, %parallel_loop3A_225 : i32
        %parallel_loop3A_227 = arith.index_cast %parallel_loop3A_226 : i32 to index
        %parallel_loop3A_228 = tpu.vector_load %arg5[%parallel_loop3A_227] {strides = array<i32>} : memref<8192xi32, #tpu.memory_space<vmem>>, vector<16xi32>,
        %parallel_loop3A_229 = arith.constant 0 : i32
        %parallel_loop3A_230 = vector.broadcast %parallel_loop3A_229 : i32 to vector<16xi32>
        %parallel_loop3A_231 = tpu.vector_load_idx %arg9[%parallel_loop3A_230, %parallel_loop3A_228] : memref<2x8192xf32, #tpu.memory_space<vmem>>[vector<16xi32>, vector<16xi32>], vector<16xf32>,
        %parallel_loop3A_232 = arith.constant 0 : i32
        %parallel_loop3A_233 = arith.index_cast %parallel_loop3A_232 : i32 to index
        %parallel_loop3A_234 = arith.index_cast %parallel_loop3A_226 : i32 to index
        %parallel_loop3A_235 = tpu.vector_load %arg11[%parallel_loop3A_233, %parallel_loop3A_234] {strides = array<i32>} : memref<2x8192xf32, #tpu.memory_space<vmem>>, vector<16xf32>,
        tpu.vector_store %arg11[%parallel_loop3A_233, %parallel_loop3A_234], %parallel_loop3A_231 {strides = array<i32>} : memref<2x8192xf32, #tpu.memory_space<vmem>>, vector<16xf32>,
        %parallel_loop3A_236 = arith.constant 1 : i32
        %parallel_loop3A_237 = vector.broadcast %parallel_loop3A_236 : i32 to vector<16xi32>
        %parallel_loop3A_238 = tpu.vector_load_idx %arg9[%parallel_loop3A_237, %parallel_loop3A_228] : memref<2x8192xf32, #tpu.memory_space<vmem>>[vector<16xi32>, vector<16xi32>], vector<16xf32>,
        %parallel_loop3A_239 = arith.constant 1 : i32
        %parallel_loop3A_240 = arith.index_cast %parallel_loop3A_239 : i32 to index
        %parallel_loop3A_241 = arith.index_cast %parallel_loop3A_226 : i32 to index
        %parallel_loop3A_242 = tpu.vector_load %arg11[%parallel_loop3A_240, %parallel_loop3A_241] {strides = array<i32>} : memref<2x8192xf32, #tpu.memory_space<vmem>>, vector<16xf32>,
        tpu.vector_store %arg11[%parallel_loop3A_240, %parallel_loop3A_241], %parallel_loop3A_238 {strides = array<i32>} : memref<2x8192xf32, #tpu.memory_space<vmem>>, vector<16xf32>,
      } {sc.loop_unroll_factor = 8 : i64, sc.parallel_access}
      %mul3A_215 = arith.constant 2 : i32
      %mul3A_216 = arith.muli %add3A_190, %mul3A_215 : i32
      %add3A_217 = arith.addi %mul3A_32, %mul3A_216 : i32
      %dma_start3A_218 = arith.constant 0 : i32
      %dma_start3A_219 = tpu.memref_slice %arg4[%select_n3A, %add3A_217, %dma_start3A_218] : memref<16x256x8192xf32, #tpu.memory_space<hbm>> -> memref<1x2x8192xf32, #tpu.memory_space<hbm>>
      %dma_start3A_220 = tpu.memref_squeeze %dma_start3A_219 : memref<1x2x8192xf32, #tpu.memory_space<hbm>> -> memref<2x8192xf32, #tpu.memory_space<hbm>>
      %dma_start3A_221 = arith.constant 0 : i32
      %dma_start3A_222 = tpu.memref_slice %arg4[%select_n3A, %add3A_217, %dma_start3A_221] : memref<16x256x8192xf32, #tpu.memory_space<hbm>> -> memref<1x2x8192xf32, #tpu.memory_space<hbm>>
      %dma_start3A_223 = tpu.memref_squeeze %dma_start3A_222 : memref<1x2x8192xf32, #tpu.memory_space<hbm>> -> memref<2x8192xf32, #tpu.memory_space<hbm>>
      tpu.enqueue_dma source(%arg11 : memref<2x8192xf32, #tpu.memory_space<vmem>>) target(%dma_start3A_223 : memref<2x8192xf32, #tpu.memory_space<hbm>>) target_semaphore(%arg17 : memref<!tpu.dma_semaphore, #tpu.memory_space<semaphore_mem>>)
    }
    %scan3A_62 = arith.constant 16 : i32
    %add3A_63 = arith.constant 124 : i32
    %add3A_64 = arith.addi %mul3A_32, %add3A_63 : i32
    %dma_wait3A = arith.constant 0 : i32
    %dma_wait3A_65 = tpu.memref_slice %arg4[%select_n3A, %add3A_64, %dma_wait3A] : memref<16x256x8192xf32, #tpu.memory_space<hbm>> -> memref<1x2x8192xf32, #tpu.memory_space<hbm>>
    %dma_wait3A_66 = tpu.memref_squeeze %dma_wait3A_65 : memref<1x2x8192xf32, #tpu.memory_space<hbm>> -> memref<2x8192xf32, #tpu.memory_space<hbm>>
    %dma_wait3A_67 = arith.constant 0 : i32
    %dma_wait3A_68 = tpu.memref_slice %arg4[%select_n3A, %add3A_64, %dma_wait3A_67] : memref<16x256x8192xf32, #tpu.memory_space<hbm>> -> memref<1x2x8192xf32, #tpu.memory_space<hbm>>
    %dma_wait3A_69 = tpu.memref_squeeze %dma_wait3A_68 : memref<1x2x8192xf32, #tpu.memory_space<hbm>> -> memref<2x8192xf32, #tpu.memory_space<hbm>>
    tpu.wait_dma2 semaphore(%arg16 : memref<!tpu.dma_semaphore, #tpu.memory_space<semaphore_mem>>) src(%arg10 : memref<2x8192xf32, #tpu.memory_space<vmem>>) dst(%dma_wait3A_69 : memref<2x8192xf32, #tpu.memory_space<hbm>>)
    %add3A_70 = arith.constant 126 : i32
    %add3A_71 = arith.addi %mul3A_32, %add3A_70 : i32
    %dma_wait3A_72 = arith.constant 0 : i32
    %dma_wait3A_73 = tpu.memref_slice %arg4[%select_n3A, %add3A_71, %dma_wait3A_72] : memref<16x256x8192xf32, #tpu.memory_space<hbm>> -> memref<1x2x8192xf32, #tpu.memory_space<hbm>>
    %dma_wait3A_74 = tpu.memref_squeeze %dma_wait3A_73 : memref<1x2x8192xf32, #tpu.memory_space<hbm>> -> memref<2x8192xf32, #tpu.memory_space<hbm>>
    %dma_wait3A_75 = arith.constant 0 : i32
    %dma_wait3A_76 = tpu.memref_slice %arg4[%select_n3A, %add3A_71, %dma_wait3A_75] : memref<16x256x8192xf32, #tpu.memory_space<hbm>> -> memref<1x2x8192xf32, #tpu.memory_space<hbm>>
    %dma_wait3A_77 = tpu.memref_squeeze %dma_wait3A_76 : memref<1x2x8192xf32, #tpu.memory_space<hbm>> -> memref<2x8192xf32, #tpu.memory_space<hbm>>
    tpu.wait_dma2 semaphore(%arg17 : memref<!tpu.dma_semaphore, #tpu.memory_space<semaphore_mem>>) src(%arg11 : memref<2x8192xf32, #tpu.memory_space<vmem>>) dst(%dma_wait3A_77 : memref<2x8192xf32, #tpu.memory_space<hbm>>)
    return
  }
}

</mosaic_0001>

<sc_bundles>
// kernel: kernel.3.cloned.1.call-start
scs
__scs_entry_jumppad:
0x0: {  	(pc) =	sbr.rel $0x88, $3  }
0x1: {  	(tag) =	ssettag $0x0;
	lr =	simm.s32 $0x1  }
0x2: {  	[smem:$0x3F9F] =	sst lr;
	_ =	strace $0xD0000000  }
0x3: {  	_ = 	snop  }
0x4: {  	_ = 	snop  }
0x5: {  	_ = 	snop  }
0x6: {  	_ = 	snop  }
0x7: {  	_ = 	snop  }
__scs_overlays_trampoline_lowered:
0x8: {  	[smem:$0x3FAE] =	sst s0  }
0x9: {  	[smem:$0x3FAF] =	sst s1  }
0xa: {  	[smem:$0x3FB0] =	sst s2  }
0xb: {  	[smem:$0x3FB1] =	sst s3  }
0xc: {  	[smem:$0x3FB2] =	sst s4  }
0xd: {  	[smem:$0x3FB3] =	sst s5  }
0xe: {  	[smem:$0x3FB4] =	sst s6  }
0xf: {  	[smem:$0x3FB5] =	sst s7  }
0x10: {  	[smem:$0x3FB6] =	sst s8  }
0x11: {  	[smem:$0x3FB7] =	sst s9;
	s0 =	simm.s32 @!p0 $0x0  }
0x12: {  	s1 =	sld [smem:$0x3F9D];
	s0 =	simm.s32 @p0 $0x1  }
0x13: {  	[smem:$0x3FB8] =	sst s0;
	s0 =	simm.s32 @!p1 $0x0  }
0x14: {  	s2 =	sld [smem:$0x3F9C];
	s0 =	simm.s32 @p1 $0x1  }
0x15: {  	[smem:$0x3FB9] =	sst s0;
	s0 =	simm.s32 @!p2 $0x0  }
0x16: {  	s3 =	sld [smem:$0x3FDB];
	s0 =	simm.s32 @p2 $0x1  }
0x17: {  	s4 =	simm.s32 $0x1BF5;
	[smem:$0x3FBB] =	sst s0  }
0x18: {  	s0 =	sld [smem:$0x3F9E];
	_ =	swait.ge [sflag:s4], $0x0  }
0x19: {  	s7 =	sld [smem:$0x3F9F]  }
0x1a: {  	s8 =	sadd.s32 $0xFFFFE003, lr  }
0x1b: {  	s9 =	sadd.s32 $0xFFFFFEF7, lr;
	s5 =	simm.s32 $0xFFFFFFFF;
	p2 =	slt.u32 s8, $0xFFFFF086  }
0x1c: {  	p1 =	slt.u32 s9, $0xF7A;
	s5 =	simm.s32 @!p2 $0x0  }
0x1d: {  	s5 =	simm.s32 @p1 $0x1;
	p0 =	seq.s32 s7, s2  }
0x1e: {  	s7 =	smul.u32 @!p0 $0xF7A, s2;
	p2 =	seq.s32 @!p0 s5, $0x0  }
0x1f: {  	s9 =	smul.u32 $0xF7A, s1;
	s8 =	simm.s32 @!p0 $0x1BF5;
	p2 =	por !p2, p0  }
0x20: {  	[sflag:s8] =	ssyncset.s32 @!p0 $0xFFFFF086;
	s6 =	sadd.s32 @!p0 s3, s7;
	s7 =	simm.s32 @!p0 $0x108  }
0x21: {  	s3 =	sadd.s32 s3, s9;
	s6 =	sadd.s32 @!p0 $0x88, s6;
	s7 =	simm.s32 @p2 $0x1082  }
0x22: {  	[simem:s7], [sflag:s8] =	dma.local @!p0 [hbm:s6], $0xF7A  }
0x23: {  	s9 =	sor.u32 $0xD0000000, s2;
	s6 =	simm.s32 $0x108;
	_ =	swait.ge @!p0 [sflag:s8], $0x0  }
0x24: {  	s3 =	sadd.s32 $0x88, s3;
	s6 =	simm.s32 @!p1 $0x1082;
	[sflag:s4] =	ssyncset.s32 $0xFFFFF086  }
0x25: {  	[simem:s6], [sflag:s4] =	dma.local [hbm:s3], $0xF7A  }
0x26: {  	[smem:$0x3F9F] =	sst s1;
	(tag) =	ssettag s2;
	_ =	strace s9  }
0x27: {  	s1 =	sld [smem:$0x3FAF]  }
0x28: {  	s2 =	sld [smem:$0x3FB0]  }
0x29: {  	s4 =	sld [smem:$0x3FB2]  }
0x2a: {  	p0 =	seq.s32 s5, $0x0;
	s5 =	sld [smem:$0x3FB3]  }
0x2b: {  	s6 =	sld [smem:$0x3FB4]  }
0x2c: {  	s7 =	sld [smem:$0x3FB5]  }
0x2d: {  	s3 =	simm.s32 $0x108;
	s8 =	sld [smem:$0x3FB6]  }
0x2e: {  	s3 =	simm.s32 @!p0 $0x1082;
	s9 =	sld [smem:$0x3FB7]  }
0x2f: {  	lr =	sadd.s32 s0, s3;
	s0 =	sld [smem:$0x3FAE]  }
0x30: {  	s3 =	sld [smem:$0x3FB1]  }
0x31: {  	[smem:$0x3FBA] =	sst s10  }
0x32: {  	s10 =	sld [smem:$0x3FB8];
	_ =	sdelay $0x3  }
0x33: {  	p0 =	seq.s32 s10, $0x1;
	s10 =	sld [smem:$0x3FBA];
	_ =	sdelay $0x3  }
0x34: {  	[smem:$0x3FBA] =	sst s10  }
0x35: {  	s10 =	sld [smem:$0x3FB9];
	_ =	sdelay $0x3  }
0x36: {  	p1 =	seq.s32 s10, $0x1;
	s10 =	sld [smem:$0x3FBA];
	_ =	sdelay $0x3  }
0x37: {  	[smem:$0x3FBA] =	sst s10  }
0x38: {  	s10 =	sld [smem:$0x3FBB]  }
0x39: {  	_ = 	snop;
	(pc) =	sbr.ind lr, $3  }
0x3a: {  	_ = 	snop  }
0x3b: {  	_ = 	snop  }
0x3c: {  	p2 =	seq.s32 s10, $0x1;
	s10 =	sld [smem:$0x3FBA]  }
0x3d: {  	_ =	shalt  }
0x3e: {  	_ =	shalt  }
0x3f: {  	_ =	shalt  }
0x40: {  	_ =	shalt  }
0x41: {  	_ =	shalt  }
0x42: {  	_ =	shalt  }
0x43: {  	_ =	shalt  }
0x44: {  	_ =	shalt  }
0x45: {  	_ =	shalt  }
0x46: {  	_ =	shalt  }
0x47: {  	_ =	shalt  }
0x48: {  	_ =	shalt  }
0x49: {  	_ =	shalt  }
0x4a: {  	_ =	shalt  }
0x4b: {  	_ =	shalt  }
0x4c: {  	_ =	shalt  }
0x4d: {  	_ =	shalt  }
0x4e: {  	_ =	shalt  }
0x4f: {  	_ =	shalt  }
0x50: {  	_ =	shalt  }
0x51: {  	_ =	shalt  }
0x52: {  	_ =	shalt  }
0x53: {  	_ =	shalt  }
0x54: {  	_ =	shalt  }
0x55: {  	_ =	shalt  }
0x56: {  	_ =	shalt  }
0x57: {  	_ =	shalt  }
0x58: {  	_ =	shalt  }
0x59: {  	_ =	shalt  }
0x5a: {  	_ =	shalt  }
0x5b: {  	_ =	shalt  }
0x5c: {  	_ =	shalt  }
0x5d: {  	_ =	shalt  }
0x5e: {  	_ =	shalt  }
0x5f: {  	_ =	shalt  }
0x60: {  	_ =	shalt  }
0x61: {  	_ =	shalt  }
0x62: {  	_ =	shalt  }
0x63: {  	_ =	shalt  }
0x64: {  	_ =	shalt  }
0x65: {  	_ =	shalt  }
0x66: {  	_ =	shalt  }
0x67: {  	_ =	shalt  }
0x68: {  	_ =	shalt  }
0x69: {  	_ =	shalt  }
0x6a: {  	_ =	shalt  }
0x6b: {  	_ =	shalt  }
0x6c: {  	_ =	shalt  }
0x6d: {  	_ =	shalt  }
0x6e: {  	_ =	shalt  }
0x6f: {  	_ =	shalt  }
0x70: {  	_ =	shalt  }
0x71: {  	_ =	shalt  }
0x72: {  	_ =	shalt  }
0x73: {  	_ =	shalt  }
0x74: {  	_ =	shalt  }
0x75: {  	_ =	shalt  }
0x76: {  	_ =	shalt  }
0x77: {  	_ =	shalt  }
0x78: {  	_ =	shalt  }
0x79: {  	_ =	shalt  }
0x7a: {  	_ =	shalt  }
0x7b: {  	_ =	shalt  }
0x7c: {  	_ =	shalt  }
0x7d: {  	_ =	shalt  }
0x7e: {  	_ =	shalt  }
0x7f: {  	_ =	shalt  }
0x80: {  	_ =	shalt  }
0x81: {  	_ =	shalt  }
0x82: {  	_ =	shalt  }
0x83: {  	_ =	shalt  }
0x84: {  	_ =	shalt  }
0x85: {  	_ =	shalt  }
0x86: {  	_ =	shalt  }
0x87: {  	_ =	shalt  }
.Lfunc_end0:
.L_simem_size_0:
called_computation_lowered:
.L_overlay_start_0:
0x88: {  	s2 =	sld [smem:$0x3FD9]  }
0x89: {  	s3 =	sld [smem:$0x3FFE];
	_ =	sdelay $0x1  }
0x8a: {  	s1 =	srdreg.scid  }
0x8b: {  	s0 =	sand.u32 $0x1, s1  }
0x8c: {  	s18 =	sshll.u32 s0, $0xA;
	s2 =	sadd.s32 s3, s2  }
0x8d: {  	s2 =	sadd.s32 s2, s18  }
0x8e: {  	[smem:$0x3FC6] =	sst s2  }
0x8f: {  	_ = 	snop  }
0x90: {  	s2 =	sld [smem:$0x3FC9]  }
0x91: {  	s19 =	sld [smem:$0x3FC8]  }
0x92: {  	s4 =	sld [smem:$0x3FD0];
	(tm) =	ssettm $0x1  }
0x93: {  	s5 =	sld [smem:$0x3FFB];
	_ =	sdelay $0x3  }
0x94: {  	_ =	strace s5  }
0x95: {  	s5 =	sld [smem:$0x3FFC];
	_ =	sdelay $0x3  }
0x96: {  	_ =	strace s5  }
0x97: {  	s5 =	sld [smem:$0x3FFD];
	_ =	sdelay $0x3  }
0x98: {  	_ =	strace s5  }
0x99: {  	_ =	strace $0x8FFFFFFF  }
0x9a: {  	s20 =	sld [smem:$0x3FDB];
	_ =	sdelay $0x1  }
0x9b: {  	s6 =	simm.s32 $_scs_section_size  }
0x9c: {  	s7 =	simm.s32 $_size__tile_overlayer_lowered;
	s8 =	simm.s32 $_tile_overlayer_lowered  }
0x9d: {  	s23 =	simm.s32 $0x1BFF;
	s22 =	sshll.u32 s8, $0x1;
	s5 =	sadd.s32 s6, s20  }
0x9e: {  	s9 =	simm.s32 $0x0;
	s21 =	sshll.u32 s7, $0x1;
	s7 =	sadd.s32 s22, s5  }
0x9f: {  	[timem:s9], [sflag:s23] =	dma.local [hbm:s7], s21  }
0xa0: {  	_ =	swait.ge [sflag:s23], s21  }
0xa1: {  	s6 =	ssub.s32 $0x0, s21;
	[sflag:s23] =	ssyncset.done $0x0  }
0xa2: {  	[sflag:s23] =	ssyncadd.s32 s6;
	_ =	sdelay $0x1  }
0xa3: {  	s24 =	simm.s32 $0x1B8B  }
0xa4: {  	_ =	swait.ge [sflag:s24], $0x1  }
0xa5: {  	[sflag:s24] =	ssyncset.done $0x0  }
0xa6: {  	s25 =	simm.s32 $0x1B8E;
	[sflag:s24] =	ssyncadd.s32 $0xFFFFFFFF  }
0xa7: {  	s26 =	simm.s32 $execute0_lowered;
	[smem:$0x3FD2] =	sst s25  }
0xa8: {  	s6 =	sshll.u32 s26, $0x1;
	_ =	strace $0x80000046;
	[dreg:$0x1] =	wrdreg $0xFFFFFFFF  }
0xa9: {  	s28 =	simm.s32 $_size_execute0_lowered;
	s5 =	sadd.s32 s5, s6;
	[dreg:$0x0] =	wrdreg $0x0  }
0xaa: {  	s6 =	sshll.u32 s28, $0x1;
	[dreg:$0x2] =	wrdreg s5  }
0xab: {  	[dreg:$0x3] =	wrdreg s6  }
0xac: {  	[dreg:$0x4] =	wrdreg $0xC0  }
0xad: {  	_ =	task [dreg:s9], $0x5FFFF  }
0xae: {  	[dreg:$0x1] =	wrdreg $0xFFFFFFFF  }
0xaf: {  	[dreg:$0x0] =	wrdreg $0x60  }
0xb0: {  	[dreg:$0x2] =	wrdreg s2  }
0xb1: {  	[dreg:$0x3] =	wrdreg s19  }
0xb2: {  	[dreg:$0x4] =	wrdreg s4  }
0xb3: {  	[dreg:$0x5] =	wrdreg $0x9  }
0xb4: {  	_ =	task.clear_ibuf [dreg:s9], $0x6FFFF;
	_ =	strace $0x90000046  }
0xb5: {  	s29 =	simm.s32 $0x9;
	_ =	strace $0x80000048  }
0xb6: {  	_ =	swait.ge [sflag:s29], $0x1  }
0xb7: {  	[sflag:s29] =	ssyncadd.s32 $0xFFFFFFFF  }
0xb8: {  	_ =	strace $0x90000048  }
0xb9: {  	_ =	sfence  }
0xba: {  	s30 =	sld [smem:$0x0];
	_ =	sdelay $0x2  }
0xbb: {  	s31 =	sshll.u32 s1, $0xD;
	s1 =	sshrl.u32 s1, $0x2  }
0xbc: {  	s3 =	sand.u32 $0x4000, s31;
	s1 =	sadd.s32 s1, s30  }
0xbd: {  	s0 =	sor.u32 s3, s0;
	s1 =	sshll.u32 s1, $0x11  }
0xbe: {  	s0 =	sor.u32 s1, s0  }
0xbf: {  	s0 =	sadd.s32 $0x8F2B, s0  }
0xc0: {  	[sflag:s0] =	ssyncadd.remote.s32 $0x1  }
0xc1: {  	_ =	sfence.sel $0xFFFF  }
0xc2: {  	[dreg:$0x0] =	wrdreg $0xFFFFFFFF;
	(pc) =	sbr.abs _section_cstart, $3  }
0xc3: {  	[dreg:$0x1] =	wrdreg $0xFFFFFFFF  }
0xc4: {  	_ =	task.clear_ibuf [dreg:s9], $0x2FFFF;
	_ =	strace $0x9FFFFFFF  }
0xc5: {  	(tm) =	ssettm $0x7FFFFFFF  }
tec
execute0_lowered:
.L_overlay_start_1:
0x0: {  	(tag) =	ssettag $0x1  }
0x1: {  	s1 =	rddreg [dreg:$0x0]  }
0x2: {  	s0 =	srdreg.scid;
	s2 =	rddreg [dreg:$0x1]  }
0x3: {  	s6 =	stileid.u32;
	s3 =	rddreg [dreg:$0x2];
	s5 =	simm.s32 $0x0  }
0x4: {  	s17 =	simm.s32 $0x100;
	s18 =	simm.s32 $0x400;
	s19 =	simm.s32 $0x2000  }
0x5: {  	s20 =	simm.s32 $0x6000;
	s28 =	simm.s32 $0x6;
	s0 =	sand.u32 $0x1, s0  }
0x6: {  	s29 =	simm.s32 $0x16000;
	s30 =	simm.s32 $0x3;
	s4 =	sor.u32 s0, s6  }
0x7: {  	s31 =	simm.s32 $0x5;
	p1 =	seq.s32 s0, $0x1;
	p0 =	seq.s32 s4, $0x0  }
0x8: {  	[smem:$0x7FF] =	sst s5;
	s5 =	simm.s32 $0x1;
	p0 =	por !p0, !p1  }
0x9: {  	s9 =	sadd.s32 $0x40, s1;
	s4 =	simm.s32 $0x1;
	p0 =	por !p0, !p0  }
0xa: {  	s14 =	sadd.s32 $0x20, s3;
	s21 =	ssub.s32 $0x2, s0;
	s4 =	simm.s32 @!p0 $0x0  }
0xb: {  	s15 =	sadd.s32 $0x40, s3;
	s22 =	sshrl.u32 s21, $0x1;
	s4 =	ssub.s32 s6, s4  }
0xc: {  	s0 =	sshll.u32 s0, $0x14;
	s10 =	ssub.s32 s21, s22;
	s7 =	sshll.u32 s4, $0x15  }
0xd: {  	_ =	strace $0x80000047;
	s26 =	smax.u32 s10, $0x1;
	s6 =	sor.u32 s0, s7  }
0xe: {  	s21 =	simm.s32 $0xA000;
	[dreg:$0x8] =	wrdreg s26;
	s0 =	sshrl.u32 s6, $0x3  }
0xf: {  	s26 =	simm.s32 $0x2;
	s23 =	sshll.u32 s4, $0xD;
	s8 =	sadd.s32 s1, s0  }
0x10: {  	s4 =	sshll.u32 s4, $0x7;
	[dreg:$0x4] =	wrdreg s8;
	s8 =	sadd.s32 $0x20, s1  }
0x11: {  	s7 =	sand.u32 $0xFFFF0000, s23;
	s4 =	sand.u32 $0x380, s4;
	s24 =	sadd.s32 s0, s8  }
0x12: {  	s4 =	sor.u32 s4, s7;
	s0 =	sadd.s32 s0, s9;
	[dreg:$0x5] =	wrdreg s24  }
0x13: {  	s13 =	sor.u32 $0x10000, s6;
	s25 =	sshrl.u32 s4, $0x3;
	[dreg:$0x6] =	wrdreg s0  }
0x14: {  	s0 =	sadd.s32 s2, s25;
	s24 =	simm.s32 $0xE000;
	s25 =	simm.s32 $0x12000  }
0x15: {  	v0 =	vlaneseq.u32;
	s2 =	simm.s32 $0x4;
	[dreg:$0x7] =	wrdreg s0;
	s0 =	simm.s32 $0x0  }
.LBB2_1:
0x16: {  	s4 =	rddreg [dreg:$0x4]  }
0x17: {  	[tilespmem:s19], [sflag:$0x1] =	stream.strided.gather [hbm4b:s4+s17], $0x4000, s18, s17, $0x38;
	[tilespmem:$0x1A000] =	vst v63  }
0x18: {  	s7 =	rddreg [dreg:$0x5]  }
0x19: {  	[tilespmem:s20], [sflag:$0x2] =	stream.strided.gather [hbm4b:s7+s17], $0x4000, s18, s17, $0x38;
	[tilespmem:$0x1A000] =	vst v63  }
0x1a: {  	s10 =	rddreg [dreg:$0x6];
	s11 =	simm.s32 $0x0  }
0x1b: {  	[tilespmem:s21], [sflag:$0x3] =	stream.strided.gather [hbm4b:s10+s17], $0x4000, s18, s17, $0x38;
	[tilespmem:$0x1A000] =	vst v63  }
0x1c: {  	s12 =	simm.s32 $0x7;
	s7 =	rddreg [dreg:$0x7];
	s10 =	simm.s32 $0x80  }
0x1d: {  	[tilespmem:s11], [sflag:$0x7] =	stream.strided.gather [hbm4b:s7+s10], $0x2000, s18, s10, $0x38;
	[tilespmem:$0x1A000] =	vst v63  }
0x1e: {  	_ =	swait.ge [sflag:s12], $0x2000  }
0x1f: {  	[sflag:s12] =	ssyncset.done $0x0  }
0x20: {  	s7 =	simm.s32 $0x20;
	[sflag:s12] =	ssyncadd.s32 $0xFFFFE000  }
0x21: {  	v1 =	vld [tilespmem:s7+$0x10]  }
0x22: {  	v2 =	vld [tilespmem:s7+$0xFFFFFFF0];
	_ =	sdelay $0x2  }
0x23: {  	s16 =	simm.s32 $0x2F;
	v4 =	vld [tilespmem:s7+$0xFFFFFFE0]  }
0x24: {  	s22 =	simm.s32 $0xF;
	v3 =	vld [tilespmem:s7+$0x0];
	v1 =	vadd.s32 s16, v1  }
0x25: {  	v2 =	vadd.s32 s22, v2;
	v1 =	vadd.s32 v0, v1  }
0x26: {  	s4 =	simm.s32 $0x60;
	v2 =	vadd.s32 v0, v2;
	vm0 =	vgt.s32 v1, $0x0  }
0x27: {  	s23 =	simm.s32 $0xFFFFFFFF;
	v5 =	vld [tilespmem:s4+$0x10];
	vm14 =	vgt.s32 v2, $0x0;
	v1 =	vnsel vm0, $0x0, v1  }
0x28: {  	s11 =	simm.s32 $0x1F;
	v6 =	vld [tilespmem:s4+$0xFFFFFFF0];
	v4 =	vadd.s32 s23, v4;
	v2 =	vnsel vm14, $0x0, v2;
	v1 =	vmin.u32 v1, $0x1FFF  }
0x29: {  	v3 =	vadd.s32 s11, v3;
	v4 =	vadd.s32 v0, v4;
	v2 =	vmin.u32 v2, $0x1FFF;
	[tilespmem:s7+$0x10] =	vst v1;
	v1 =	vld [tilespmem:s4+$0x0]  }
0x2a: {  	v3 =	vadd.s32 v0, v3;
	vm1 =	vgt.s32 v4, $0x0;
	[tilespmem:s7+$0xFFFFFFF0] =	vst v2;
	v2 =	vld [tilespmem:s4+$0xFFFFFFE0]  }
0x2b: {  	s10 =	simm.s32 $0x6F;
	vm15 =	vgt.s32 v3, $0x0;
	v4 =	vnsel vm1, $0x0, v4  }
0x2c: {  	s12 =	simm.s32 $0x4F;
	s11 =	simm.s32 $0x4;
	v7 =	vadd.s32 s10, v5;
	v3 =	vnsel vm15, $0x0, v3;
	v8 =	vmin.u32 v4, $0x1FFF  }
0x2d: {  	s16 =	simm.s32 $0x3F;
	s22 =	simm.s32 $0x5F;
	v5 =	vadd.s32 s12, v6;
	s12 =	simm.s32 $0xA0;
	v4 =	vmin.u32 v3, $0x1FFF;
	v3 =	vadd.s32 v0, v7;
	[tilespmem:s7+$0xFFFFFFE0] =	vst v8  }
.LBB2_2:
0x2e: {  	v6 =	vld [tilespmem:s12+$0x10];
	s11 =	sadd.s32 $0x4, s11;
	v5 =	vadd.s32 v0, v5;
	v1 =	vadd.s32 s22, v1;
	vm0 =	vgt.s32 v3, $0x0;
	[tilespmem:s7+$0x0] =	vst v4;
	s7 =	smov.u32 s4;
	s4 =	smov.u32 s12  }
0x2f: {  	v7 =	vld [tilespmem:s12+$0xFFFFFFF0];
	p0 =	slt.u32 s11, $0x1FC;
	v2 =	vadd.s32 s16, v2;
	v4 =	vadd.s32 v0, v1;
	v3 =	vnsel vm0, $0x0, v3  }
.Ltmp0:
0x30: {  	vm0 =	vgt.s32 v5, $0x0;
	v1 =	vld [tilespmem:s12+$0x0];
	v8 =	vadd.s32 v0, v2;
	v3 =	vmin.u32 v3, $0x1FFF;
	(pc) =	sbr.rel @p0 .LBB2_2-.Ltmp0, $4  }
0x31: {  	v5 =	vnsel vm0, $0x0, v5;
	vm0 =	vgt.s32 v4, $0x0;
	v2 =	vld [tilespmem:s12+$0xFFFFFFE0];
	vm1 =	vgt.s32 v8, $0x0;
	[tilespmem:s7+$0x10] =	vst v3  }
0x32: {  	s10 =	sadd.s32 $0x40, s10;
	v5 =	vmin.u32 v5, $0x1FFF;
	v4 =	vnsel vm0, $0x0, v4;
	v3 =	vnsel vm1, $0x0, v8  }
0x33: {  	s16 =	sadd.s32 $0xFFFFFFD0, s10;
	s23 =	sadd.s32 $0xFFFFFFE0, s10;
	s22 =	sadd.s32 $0xFFFFFFF0, s10;
	v4 =	vmin.u32 v4, $0x1FFF;
	v6 =	vadd.s32 s10, v6;
	v8 =	vmin.u32 v3, $0x1FFF;
	[tilespmem:s7+$0xFFFFFFF0] =	vst v5  }
0x34: {  	s12 =	sadd.s32 $0x40, s12;
	v5 =	vadd.s32 s23, v7;
	v3 =	vadd.s32 v0, v6;
	[tilespmem:s7+$0xFFFFFFE0] =	vst v8  }
0x35: {  	v5 =	vadd.s32 v0, v5;
	v1 =	vadd.s32 s22, v1  }
0x36: {  	vm0 =	vgt.s32 v3, $0x0;
	v2 =	vadd.s32 s16, v2;
	v1 =	vadd.s32 v0, v1  }
0x37: {  	v3 =	vnsel vm0, $0x0, v3;
	vm14 =	vgt.s32 v5, $0x0;
	v2 =	vadd.s32 v0, v2  }
0x38: {  	[tilespmem:s7+$0x0] =	vst v4;
	v3 =	vmin.u32 v3, $0x1FFF;
	v63 =	vnsel vm14, $0x0, v5;
	vm15 =	vgt.s32 v1, $0x0  }
0x39: {  	vm1 =	vgt.s32 v2, $0x0;
	[tilespmem:s4+$0x10] =	vst v3;
	v3 =	vmin.u32 v63, $0x1FFF;
	v1 =	vnsel vm15, $0x0, v1  }
0x3a: {  	v2 =	vnsel vm1, $0x0, v2;
	[tilespmem:s4+$0xFFFFFFF0] =	vst v3;
	v1 =	vmin.u32 v1, $0x1FFF  }
0x3b: {  	v2 =	vmin.u32 v2, $0x1FFF;
	[tilespmem:s4+$0x0] =	vst v1  }
0x3c: {  	s22 =	simm.s32 $0x0;
	[tilespmem:s4+$0xFFFFFFE0] =	vst v2  }
.LBB2_4:
0x3d: {  	s10 =	sshll.u32 s22, $0x10  }
0x3e: {  	s4 =	sor.u32 s10, s6  }
0x3f: {  	s7 =	sshrl.u32 s4, $0x3  }
0x40: {  	s4 =	sor.u32 $0x60, s7  }
0x41: {  	s11 =	sadd.s32 s1, s4  }
0x42: {  	[tilespmem:s24], [sflag:$0x4] =	stream.strided.gather [hbm4b:s11+s17], $0x4000, s18, s17, $0x38;
	[tilespmem:$0x1A000] =	vst v63  }
0x43: {  	_ =	swait.ge [sflag:s5], $0x4000  }
0x44: {  	p0 =	seq.s32 s22, $0x0;
	[sflag:s5] =	ssyncset.done $0x0  }
0x45: {  	s11 =	simm.s32 @!p0 $0x5;
	[sflag:s5] =	ssyncadd.s32 $0xFFFFC000  }
0x46: {  	_ =	swait.ge @!p0 [sflag:s11], $0x4000  }
0x47: {  	[sflag:s11] =	ssyncset.done @!p0 $0x0  }
0x48: {  	s23 =	simm.s32 $0x40;
	[sflag:s11] =	ssyncadd.s32 @!p0 $0xFFFFC000  }
0x49: {  	v1 =	vld [tilespmem:s23+$0xFFFFFFC0]  }
0x4a: {  	v2 =	vld [tilespmem:s23+$0x30];
	_ =	sdelay $0x3  }
0x4b: {  	v5 =	vld [tilespmem:s23+$0x20];
	v3 =	vshll.u32 v1, $0x1  }
0x4c: {  	v6 =	vld [tilespmem:s23+$0xFFFFFFE0];
	v4 =	vshll.u32 v2, $0x1;
	v1 =	vand.u32 $0x7F, v1;
	v3 =	vand.u32 $0xFFFFFF00, v3  }
0x4d: {  	v2 =	vand.u32 $0x7F, v2;
	v4 =	vand.u32 $0xFFFFFF00, v4;
	v1 =	vor.u32 v1, v3  }
0x4e: {  	v7 =	vld [tilespmem:s23+$0x0];
	v2 =	vor.u32 v2, v4  }
0x4f: {  	v4 =	vld [tilespmem:s23+$0x10]  }
0x50: {  	v8 =	vshll.u32 v5, $0x1;
	v3 =	vld [tilespmem:s23+$0xFFFFFFF0]  }
0x51: {  	v9 =	vld [tilespmem:s23+$0xFFFFFFD0];
	v5 =	vand.u32 $0x7F, v5;
	v15 =	vshll.u32 v6, $0x1;
	v8 =	vand.u32 $0xFFFFFF00, v8  }
0x52: {  	v6 =	vand.u32 $0x7F, v6;
	v15 =	vand.u32 $0xFFFFFF00, v15;
	v5 =	vor.u32 v5, v8;
	v10 =	vld.idx.msk [tilespmem:v1+s19+$0x0], $0xffff  }
0x53: {  	s12 =	simm.s32 $0xC0;
	v6 =	vor.u32 v6, v15;
	v11 =	vor.u32 $0x80, v1;
	v8 =	vld.idx.msk [tilespmem:v2+s19+$0x0], $0xffff  }
0x54: {  	v16 =	vld [tilespmem:s12+$0x30];
	v13 =	vor.u32 $0x80, v2;
	v12 =	vshll.u32 v4, $0x1;
	v4 =	vand.u32 $0x7F, v4  }
0x55: {  	v17 =	vld [tilespmem:s12+$0xFFFFFFC0];
	v14 =	vand.u32 $0x7F, v3;
	v3 =	vshll.u32 v3, $0x1;
	v12 =	vand.u32 $0xFFFFFF00, v12  }
0x56: {  	s11 =	simm.s32 $0x12080;
	v19 =	vld [tilespmem:s12+$0x20];
	v3 =	vand.u32 $0xFFFFFF00, v3;
	v4 =	vor.u32 v4, v12;
	v12 =	vshll.u32 v7, $0x1  }
0x57: {  	v7 =	vand.u32 $0x7F, v7;
	v14 =	vor.u32 v14, v3;
	v3 =	vand.u32 $0xFFFFFF00, v12;
	[tilespmem:s11+$0xFFFFFF80] =	vst v10;
	v10 =	vld.idx.msk [tilespmem:v5+s19+$0x0], $0xffff  }
0x58: {  	v7 =	vor.u32 v7, v3;
	[tilespmem:s11+$0xFFFFFFF0] =	vst v8;
	v8 =	vshll.u32 v9, $0x1;
	v11 =	vld.idx.msk [tilespmem:v11+s19+$0x0], $0xffff  }
0x59: {  	v5 =	vor.u32 $0x80, v5;
	v9 =	vand.u32 $0x7F, v9;
	v12 =	vld.idx.msk [tilespmem:v13+s19+$0x0], $0xffff;
	v8 =	vand.u32 $0xFFFFFF00, v8  }
0x5a: {  	v13 =	vld.idx.msk [tilespmem:v6+s19+$0x0], $0xffff;
	v8 =	vor.u32 v9, v8  }
0x5b: {  	v9 =	vld.idx.msk [tilespmem:v4+s19+$0x0], $0xffff  }
0x5c: {  	v15 =	vld.idx.msk [tilespmem:v14+s19+$0x0], $0xffff;
	v4 =	vor.u32 $0x80, v4  }
0x5d: {  	v6 =	vor.u32 $0x80, v6;
	v18 =	vld.idx.msk [tilespmem:v7+s19+$0x0], $0xffff;
	[tilespmem:s11+$0xFFFFFFE0] =	vst v10  }
0x5e: {  	v10 =	vor.u32 $0x80, v14;
	v14 =	vld.idx.msk [tilespmem:v5+s19+$0x0], $0xffff  }
0x5f: {  	v7 =	vor.u32 $0x80, v7;
	[tilespmem:s11+$0x0] =	vst v11;
	v5 =	vld.idx.msk [tilespmem:v8+s19+$0x0], $0xffff  }
0x60: {  	v1 =	vld [tilespmem:s12+$0xFFFFFFE0];
	[tilespmem:s11+$0xFFFFFFD0] =	vst v9  }
0x61: {  	[tilespmem:s11+$0xFFFFFFA0] =	vst v13;
	v20 =	vld.idx.msk [tilespmem:v4+s19+$0x0], $0xffff  }
0x62: {  	[tilespmem:s11+$0x70] =	vst v12;
	v11 =	vshll.u32 v17, $0x1;
	v4 =	vld.idx.msk [tilespmem:v6+s19+$0x0], $0xffff;
	v6 =	vshll.u32 v16, $0x1  }
0x63: {  	v3 =	vld [tilespmem:s12+$0x10];
	v12 =	vand.u32 $0x7F, v16;
	v8 =	vor.u32 $0x80, v8;
	[tilespmem:s11+$0xFFFFFFC0] =	vst v18;
	v6 =	vand.u32 $0xFFFFFF00, v6  }
0x64: {  	v11 =	vand.u32 $0xFFFFFF00, v11;
	[tilespmem:s11+$0xFFFFFF90] =	vst v5;
	v5 =	vld.idx.msk [tilespmem:v7+s19+$0x0], $0xffff;
	v7 =	vor.u32 v12, v6;
	v12 =	vand.u32 $0x7F, v17  }
0x65: {  	[tilespmem:s11+$0xFFFFFFB0] =	vst v15;
	v9 =	vld [tilespmem:s12+$0x0];
	v11 =	vor.u32 v12, v11  }
0x66: {  	v10 =	vld.idx.msk [tilespmem:v10+s19+$0x0], $0xffff  }
0x67: {  	v2 =	vld [tilespmem:s12+$0xFFFFFFF0]  }
0x68: {  	v13 =	vshll.u32 v19, $0x1;
	[tilespmem:s11+$0x60] =	vst v14;
	v6 =	vld.idx.msk [tilespmem:v8+s19+$0x0], $0xffff  }
0x69: {  	s16 =	simm.s32 $0x12080;
	s23 =	simm.s32 $0x8;
	v12 =	vand.u32 $0xFFFFFF00, v13;
	v8 =	vld [tilespmem:s12+$0xFFFFFFD0];
	v13 =	vand.u32 $0x7F, v19;
	[tilespmem:s11+$0x50] =	vst v20  }
.LBB2_5:
0x6a: {  	s23 =	sadd.s32 $0x8, s23;
	v14 =	vld.idx.msk [tilespmem:v11+s19+$0x0], $0xffff;
	v11 =	vor.u32 $0x80, v11;
	v15 =	vshll.u32 v3, $0x1;
	v16 =	vor.u32 $0x80, v7;
	s11 =	sadd.s32 $0x100, s11  }
0x6b: {  	v3 =	vand.u32 $0x7F, v3;
	v12 =	vor.u32 v13, v12;
	s12 =	sadd.s32 $0x80, s12;
	p1 =	slt.u32 s23, $0x1F8;
	v17 =	vand.u32 $0x7F, v9;
	v7 =	vld.idx.msk [tilespmem:v7+s19+$0x0], $0xffff;
	[tilespmem:s16+$0x30] =	vst v10  }
0x6c: {  	v13 =	vand.u32 $0x7F, v2;
	v18 =	vshll.u32 v2, $0x1;
	v19 =	vor.u32 $0x80, v12;
	v10 =	vld [tilespmem:s12+$0xFFFFFFE0];
	[tilespmem:s16+$0x20] =	vst v4  }
0x6d: {  	v18 =	vand.u32 $0xFFFFFF00, v18;
	v9 =	vshll.u32 v9, $0x1;
	v4 =	vshll.u32 v1, $0x1;
	v2 =	vld [tilespmem:s12+$0xFFFFFFF0];
	[tilespmem:s16+$0x40] =	vst v5  }
0x6e: {  	v15 =	vand.u32 $0xFFFFFF00, v15;
	v4 =	vand.u32 $0xFFFFFF00, v4;
	v5 =	vld [tilespmem:s12+$0x30];
	v20 =	vand.u32 $0x7F, v8;
	[tilespmem:s16+$0x10] =	vst v6;
	s16 =	smov.u32 s11  }
0x6f: {  	v21 =	vand.u32 $0x7F, v1;
	v13 =	vor.u32 v13, v18;
	v15 =	vor.u32 v3, v15;
	v6 =	vld [tilespmem:s12+$0xFFFFFFC0]  }
0x70: {  	v3 =	vshll.u32 v8, $0x1;
	v4 =	vor.u32 v21, v4;
	[tilespmem:s11+$0xFFFFFF80] =	vst v14;
	v14 =	vand.u32 $0xFFFFFF00, v9;
	v8 =	vld.idx.msk [tilespmem:v12+s19+$0x0], $0xffff  }
0x71: {  	v3 =	vand.u32 $0xFFFFFF00, v3;
	v9 =	vld.idx.msk [tilespmem:v11+s19+$0x0], $0xffff;
	v11 =	vor.u32 v17, v14;
	[tilespmem:s11+$0xFFFFFFF0] =	vst v7;
	v1 =	vmov v10  }
0x72: {  	v10 =	vor.u32 v20, v3;
	v12 =	vld.idx.msk [tilespmem:v16+s19+$0x0], $0xffff  }
0x73: {  	v3 =	vld [tilespmem:s12+$0x10];
	v7 =	vand.u32 $0x7F, v5;
	v5 =	vshll.u32 v5, $0x1  }
0x74: {  	v14 =	vshll.u32 v6, $0x1;
	v5 =	vand.u32 $0xFFFFFF00, v5;
	v16 =	vld.idx.msk [tilespmem:v15+s19+$0x0], $0xffff  }
0x75: {  	v14 =	vand.u32 $0xFFFFFF00, v14;
	v7 =	vor.u32 v7, v5;
	v5 =	vld.idx.msk [tilespmem:v4+s19+$0x0], $0xffff  }
0x76: {  	v15 =	vor.u32 $0x80, v15;
	v17 =	vld.idx.msk [tilespmem:v13+s19+$0x0], $0xffff;
	[tilespmem:s11+$0xFFFFFFE0] =	vst v8  }
0x77: {  	v4 =	vor.u32 $0x80, v4;
	[tilespmem:s11+$0x0] =	vst v9;
	v8 =	vld.idx.msk [tilespmem:v11+s19+$0x0], $0xffff  }
0x78: {  	v9 =	vor.u32 $0x80, v13;
	v13 =	vld.idx.msk [tilespmem:v19+s19+$0x0], $0xffff;
	[tilespmem:s11+$0x70] =	vst v12  }
0x79: {  	v12 =	vld.idx.msk [tilespmem:v10+s19+$0x0], $0xffff  }
0x7a: {  	v20 =	vor.u32 $0x80, v11;
	v19 =	vor.u32 $0x80, v10;
	v18 =	vld [tilespmem:s12+$0x20];
	[tilespmem:s11+$0xFFFFFFD0] =	vst v16  }
0x7b: {  	[tilespmem:s11+$0xFFFFFFA0] =	vst v5;
	v15 =	vld.idx.msk [tilespmem:v15+s19+$0x0], $0xffff  }
0x7c: {  	v5 =	vand.u32 $0x7F, v6;
	v4 =	vld.idx.msk [tilespmem:v4+s19+$0x0], $0xffff;
	[tilespmem:s11+$0xFFFFFFB0] =	vst v17  }
.Ltmp1:
0x7d: {  	v11 =	vor.u32 v5, v14;
	v10 =	vld.idx.msk [tilespmem:v9+s19+$0x0], $0xffff;
	[tilespmem:s11+$0xFFFFFFC0] =	vst v8;
	(pc) =	sbr.rel @p1 .LBB2_5-.Ltmp1, $4  }
0x7e: {  	v9 =	vld [tilespmem:s12+$0x0];
	[tilespmem:s11+$0x60] =	vst v13  }
0x7f: {  	v6 =	vshll.u32 v18, $0x1;
	[tilespmem:s11+$0xFFFFFF90] =	vst v12;
	v5 =	vld.idx.msk [tilespmem:v20+s19+$0x0], $0xffff  }
0x80: {  	v12 =	vand.u32 $0xFFFFFF00, v6;
	v6 =	vld.idx.msk [tilespmem:v19+s19+$0x0], $0xffff  }
0x81: {  	v13 =	vand.u32 $0x7F, v18;
	v8 =	vld [tilespmem:s12+$0xFFFFFFD0];
	[tilespmem:s11+$0x50] =	vst v15  }
0x82: {  	_ =	sdelay $0x2  }
0x83: {  	v14 =	vor.u32 $0x80, v11  }
0x84: {  	v47 =	vld.idx.msk [tilespmem:v11+s19+$0x0], $0xffff;
	v15 =	vshll.u32 v3, $0x1;
	v16 =	vor.u32 $0x80, v7;
	v12 =	vor.u32 v13, v12  }
0x85: {  	v3 =	vand.u32 $0x7F, v3;
	v49 =	vld.idx.msk [tilespmem:v7+s19+$0x0], $0xffff;
	v17 =	vand.u32 $0x7F, v2;
	v2 =	vshll.u32 v2, $0x1  }
0x86: {  	v50 =	vshll.u32 v1, $0x1;
	v1 =	vand.u32 $0x7F, v1;
	v15 =	vand.u32 $0xFFFFFF00, v15  }
0x87: {  	v48 =	vand.u32 $0x7F, v9;
	v2 =	vand.u32 $0xFFFFFF00, v2;
	v3 =	vor.u32 v3, v15  }
0x88: {  	s11 =	sadd.s32 $0x100, s11;
	[tilespmem:s16+$0x30] =	vst v10;
	v51 =	vshll.u32 v9, $0x1;
	v52 =	vand.u32 $0xFFFFFF00, v50;
	v2 =	vor.u32 v17, v2  }
0x89: {  	v1 =	vor.u32 v1, v52;
	v9 =	vand.u32 $0xFFFFFF00, v51;
	v53 =	vshll.u32 v8, $0x1;
	[tilespmem:s11+$0xFFFFFF80] =	vst v47;
	v54 =	vld.idx.msk [tilespmem:v12+s19+$0x0], $0xffff  }
0x8a: {  	v9 =	vor.u32 v48, v9;
	v55 =	vand.u32 $0x7F, v8;
	v11 =	vand.u32 $0xFFFFFF00, v53;
	[tilespmem:s11+$0xFFFFFFF0] =	vst v49;
	v14 =	vld.idx.msk [tilespmem:v14+s19+$0x0], $0xffff  }
0x8b: {  	[tilespmem:s16+$0x20] =	vst v4;
	v56 =	vor.u32 v55, v11;
	v7 =	vld.idx.msk [tilespmem:v16+s19+$0x0], $0xffff  }
0x8c: {  	v57 =	vor.u32 $0x80, v12;
	[tilespmem:s16+$0x40] =	vst v5;
	v58 =	vld.idx.msk [tilespmem:v3+s19+$0x0], $0xffff  }
0x8d: {  	[tilespmem:s16+$0x10] =	vst v6;
	v59 =	vld.idx.msk [tilespmem:v2+s19+$0x0], $0xffff;
	v3 =	vor.u32 $0x80, v3  }
0x8e: {  	v60 =	vld.idx.msk [tilespmem:v1+s19+$0x0], $0xffff;
	v2 =	vor.u32 $0x80, v2;
	[tilespmem:s11+$0xFFFFFFE0] =	vst v54  }
0x8f: {  	v1 =	vor.u32 $0x80, v1;
	v61 =	vld.idx.msk [tilespmem:v9+s19+$0x0], $0xffff;
	[tilespmem:s11+$0x0] =	vst v14  }
0x90: {  	v9 =	vor.u32 $0x80, v9;
	[tilespmem:s11+$0x70] =	vst v7;
	v62 =	vld.idx.msk [tilespmem:v56+s19+$0x0], $0xffff  }
0x91: {  	v4 =	vor.u32 $0x80, v56;
	v8 =	vld.idx.msk [tilespmem:v57+s19+$0x0], $0xffff;
	[tilespmem:s11+$0xFFFFFFD0] =	vst v58  }
0x92: {  	[tilespmem:s11+$0xFFFFFFB0] =	vst v59;
	v3 =	vld.idx.msk [tilespmem:v3+s19+$0x0], $0xffff  }
0x93: {  	[tilespmem:s11+$0xFFFFFFA0] =	vst v60;
	v2 =	vld.idx.msk [tilespmem:v2+s19+$0x0], $0xffff  }
0x94: {  	v1 =	vld.idx.msk [tilespmem:v1+s19+$0x0], $0xffff;
	[tilespmem:s11+$0xFFFFFFC0] =	vst v61  }
0x95: {  	v63 =	vld.idx.msk [tilespmem:v9+s19+$0x0], $0xffff;
	[tilespmem:s11+$0xFFFFFF90] =	vst v62  }
0x96: {  	[tilespmem:s11+$0x60] =	vst v8;
	v4 =	vld.idx.msk [tilespmem:v4+s19+$0x0], $0xffff  }
0x97: {  	p1 =	sne.s32 s22, $0xF;
	[tilespmem:s11+$0x50] =	vst v3  }
.Ltmp2:
0x98: {  	[tilespmem:s11+$0x30] =	vst v2;
	(pc) =	sbr.rel @p1 .LBB2_8-.Ltmp2, $4  }
0x99: {  	[tilespmem:s11+$0x20] =	vst v1  }
0x9a: {  	[tilespmem:s11+$0x40] =	vst v63  }
0x9b: {  	s23 =	sadd.s32 s3, s7;
	[tilespmem:s11+$0x10] =	vst v4  }
0x9c: {  	[hbm4b:s23+s17] =	stream.strided.scatter [tilespmem:s25], [sflag:$0x5], $0x4000, s18, s17, $0x38;
	[tilespmem:$0x1A000] =	vst v63  }
.Ltmp3:
0x9d: {  	(pc) =	sbr.rel .LBB2_9-.Ltmp3, $4  }
0x9e: {  	_ = 	snop  }
0x9f: {  	_ =	swait.ge [sflag:s26], $0x4000  }
0xa0: {  	[sflag:s26] =	ssyncset.done $0x0  }
0xa1: {  	[sflag:s26] =	ssyncadd.s32 $0xFFFFC000  }
.LBB2_8:
0xa2: {  	s11 =	sadd.s32 s10, s13  }
0xa3: {  	s11 =	sshrl.u32 s11, $0x3  }
.Ltmp4:
0xa4: {  	s11 =	sadd.s32 s1, s11;
	(pc) =	sbr.rel @p0 .LBB2_10-.Ltmp4, $4  }
0xa5: {  	[tilespmem:s19], [sflag:$0x1] =	stream.strided.gather [hbm4b:s11+s17], $0x4000, s18, s17, $0x38;
	[tilespmem:$0x1A000] =	vst v63  }
0xa6: {  	_ =	swait.ge [sflag:s26], $0x4000  }
0xa7: {  	[sflag:s26] =	ssyncset.done $0x0  }
0xa8: {  	[sflag:s26] =	ssyncadd.s32 $0xFFFFC000  }
.LBB2_9:
0xa9: {  	_ =	swait.ge [sflag:s28], $0x4000  }
0xaa: {  	[sflag:s28] =	ssyncset.done $0x0  }
0xab: {  	[sflag:s28] =	ssyncadd.s32 $0xFFFFC000  }
.LBB2_10:
0xac: {  	s11 =	simm.s32 $0x40  }
0xad: {  	v1 =	vld [tilespmem:s11+$0xFFFFFFC0]  }
0xae: {  	v2 =	vld [tilespmem:s11+$0x30];
	_ =	sdelay $0x3  }
0xaf: {  	v5 =	vld [tilespmem:s11+$0x20];
	v3 =	vshll.u32 v1, $0x1  }
0xb0: {  	v6 =	vld [tilespmem:s11+$0xFFFFFFE0];
	v4 =	vshll.u32 v2, $0x1;
	v1 =	vand.u32 $0x7F, v1;
	v3 =	vand.u32 $0xFFFFFF00, v3  }
0xb1: {  	v2 =	vand.u32 $0x7F, v2;
	v4 =	vand.u32 $0xFFFFFF00, v4;
	v1 =	vor.u32 v1, v3  }
0xb2: {  	v7 =	vld [tilespmem:s11+$0x0];
	v2 =	vor.u32 v2, v4  }
0xb3: {  	v4 =	vld [tilespmem:s11+$0x10]  }
0xb4: {  	v8 =	vshll.u32 v5, $0x1;
	v3 =	vld [tilespmem:s11+$0xFFFFFFF0]  }
0xb5: {  	v9 =	vld [tilespmem:s11+$0xFFFFFFD0];
	v5 =	vand.u32 $0x7F, v5;
	v15 =	vshll.u32 v6, $0x1;
	v8 =	vand.u32 $0xFFFFFF00, v8  }
0xb6: {  	v6 =	vand.u32 $0x7F, v6;
	v15 =	vand.u32 $0xFFFFFF00, v15;
	v5 =	vor.u32 v5, v8;
	v10 =	vld.idx.msk [tilespmem:v1+s20+$0x0], $0xffff  }
0xb7: {  	s12 =	simm.s32 $0xC0;
	v6 =	vor.u32 v6, v15;
	v11 =	vor.u32 $0x80, v1;
	v8 =	vld.idx.msk [tilespmem:v2+s20+$0x0], $0xffff  }
0xb8: {  	v16 =	vld [tilespmem:s12+$0x30];
	v13 =	vor.u32 $0x80, v2;
	v12 =	vshll.u32 v4, $0x1;
	v4 =	vand.u32 $0x7F, v4  }
0xb9: {  	v17 =	vld [tilespmem:s12+$0xFFFFFFC0];
	v14 =	vand.u32 $0x7F, v3;
	v3 =	vshll.u32 v3, $0x1;
	v12 =	vand.u32 $0xFFFFFF00, v12  }
0xba: {  	v19 =	vld [tilespmem:s12+$0x20];
	s11 =	simm.s32 $0x16080;
	v3 =	vand.u32 $0xFFFFFF00, v3;
	v4 =	vor.u32 v4, v12;
	v12 =	vshll.u32 v7, $0x1  }
0xbb: {  	v7 =	vand.u32 $0x7F, v7;
	v14 =	vor.u32 v14, v3;
	v3 =	vand.u32 $0xFFFFFF00, v12;
	[tilespmem:s11+$0xFFFFFF80] =	vst v10;
	v10 =	vld.idx.msk [tilespmem:v5+s20+$0x0], $0xffff  }
0xbc: {  	v7 =	vor.u32 v7, v3;
	[tilespmem:s11+$0xFFFFFFF0] =	vst v8;
	v8 =	vshll.u32 v9, $0x1;
	v11 =	vld.idx.msk [tilespmem:v11+s20+$0x0], $0xffff  }
0xbd: {  	v5 =	vor.u32 $0x80, v5;
	v9 =	vand.u32 $0x7F, v9;
	v12 =	vld.idx.msk [tilespmem:v13+s20+$0x0], $0xffff;
	v8 =	vand.u32 $0xFFFFFF00, v8  }
0xbe: {  	v13 =	vld.idx.msk [tilespmem:v6+s20+$0x0], $0xffff;
	v8 =	vor.u32 v9, v8  }
0xbf: {  	v9 =	vld.idx.msk [tilespmem:v4+s20+$0x0], $0xffff  }
0xc0: {  	v15 =	vld.idx.msk [tilespmem:v14+s20+$0x0], $0xffff;
	v4 =	vor.u32 $0x80, v4  }
0xc1: {  	v6 =	vor.u32 $0x80, v6;
	v18 =	vld.idx.msk [tilespmem:v7+s20+$0x0], $0xffff;
	[tilespmem:s11+$0xFFFFFFE0] =	vst v10  }
0xc2: {  	v10 =	vor.u32 $0x80, v14;
	v14 =	vld.idx.msk [tilespmem:v5+s20+$0x0], $0xffff  }
0xc3: {  	v7 =	vor.u32 $0x80, v7;
	[tilespmem:s11+$0x0] =	vst v11;
	v5 =	vld.idx.msk [tilespmem:v8+s20+$0x0], $0xffff  }
0xc4: {  	v1 =	vld [tilespmem:s12+$0xFFFFFFE0];
	[tilespmem:s11+$0xFFFFFFD0] =	vst v9  }
0xc5: {  	[tilespmem:s11+$0xFFFFFFA0] =	vst v13;
	v20 =	vld.idx.msk [tilespmem:v4+s20+$0x0], $0xffff  }
0xc6: {  	[tilespmem:s11+$0x70] =	vst v12;
	v11 =	vshll.u32 v17, $0x1;
	v4 =	vld.idx.msk [tilespmem:v6+s20+$0x0], $0xffff;
	v6 =	vshll.u32 v16, $0x1  }
0xc7: {  	v3 =	vld [tilespmem:s12+$0x10];
	v12 =	vand.u32 $0x7F, v16;
	v8 =	vor.u32 $0x80, v8;
	[tilespmem:s11+$0xFFFFFFC0] =	vst v18;
	v6 =	vand.u32 $0xFFFFFF00, v6  }
0xc8: {  	v11 =	vand.u32 $0xFFFFFF00, v11;
	[tilespmem:s11+$0xFFFFFF90] =	vst v5;
	v5 =	vld.idx.msk [tilespmem:v7+s20+$0x0], $0xffff;
	v7 =	vor.u32 v12, v6;
	v12 =	vand.u32 $0x7F, v17  }
0xc9: {  	[tilespmem:s11+$0xFFFFFFB0] =	vst v15;
	v9 =	vld [tilespmem:s12+$0x0];
	v11 =	vor.u32 v12, v11  }
0xca: {  	v10 =	vld.idx.msk [tilespmem:v10+s20+$0x0], $0xffff  }
0xcb: {  	v2 =	vld [tilespmem:s12+$0xFFFFFFF0]  }
0xcc: {  	v13 =	vshll.u32 v19, $0x1;
	[tilespmem:s11+$0x60] =	vst v14;
	v6 =	vld.idx.msk [tilespmem:v8+s20+$0x0], $0xffff  }
0xcd: {  	s23 =	simm.s32 $0x8;
	s16 =	simm.s32 $0x16080;
	v12 =	vand.u32 $0xFFFFFF00, v13;
	v8 =	vld [tilespmem:s12+$0xFFFFFFD0];
	v13 =	vand.u32 $0x7F, v19;
	[tilespmem:s11+$0x50] =	vst v20  }
.LBB2_11:
0xce: {  	s23 =	sadd.s32 $0x8, s23;
	v14 =	vld.idx.msk [tilespmem:v11+s20+$0x0], $0xffff;
	v11 =	vor.u32 $0x80, v11;
	v15 =	vshll.u32 v3, $0x1;
	v16 =	vor.u32 $0x80, v7;
	s11 =	sadd.s32 $0x100, s11  }
0xcf: {  	v3 =	vand.u32 $0x7F, v3;
	v12 =	vor.u32 v13, v12;
	s12 =	sadd.s32 $0x80, s12;
	p0 =	slt.u32 s23, $0x1F8;
	v17 =	vand.u32 $0x7F, v9;
	v7 =	vld.idx.msk [tilespmem:v7+s20+$0x0], $0xffff;
	[tilespmem:s16+$0x30] =	vst v10  }
0xd0: {  	v13 =	vand.u32 $0x7F, v2;
	v18 =	vshll.u32 v2, $0x1;
	v19 =	vor.u32 $0x80, v12;
	v10 =	vld [tilespmem:s12+$0xFFFFFFE0];
	[tilespmem:s16+$0x20] =	vst v4  }
0xd1: {  	v18 =	vand.u32 $0xFFFFFF00, v18;
	v9 =	vshll.u32 v9, $0x1;
	v4 =	vshll.u32 v1, $0x1;
	v2 =	vld [tilespmem:s12+$0xFFFFFFF0];
	[tilespmem:s16+$0x40] =	vst v5  }
0xd2: {  	v15 =	vand.u32 $0xFFFFFF00, v15;
	v4 =	vand.u32 $0xFFFFFF00, v4;
	v5 =	vld [tilespmem:s12+$0x30];
	v20 =	vand.u32 $0x7F, v8;
	[tilespmem:s16+$0x10] =	vst v6;
	s16 =	smov.u32 s11  }
0xd3: {  	v21 =	vand.u32 $0x7F, v1;
	v13 =	vor.u32 v13, v18;
	v15 =	vor.u32 v3, v15;
	v6 =	vld [tilespmem:s12+$0xFFFFFFC0]  }
0xd4: {  	v3 =	vshll.u32 v8, $0x1;
	v4 =	vor.u32 v21, v4;
	[tilespmem:s11+$0xFFFFFF80] =	vst v14;
	v14 =	vand.u32 $0xFFFFFF00, v9;
	v8 =	vld.idx.msk [tilespmem:v12+s20+$0x0], $0xffff  }
0xd5: {  	v3 =	vand.u32 $0xFFFFFF00, v3;
	v9 =	vld.idx.msk [tilespmem:v11+s20+$0x0], $0xffff;
	v11 =	vor.u32 v17, v14;
	[tilespmem:s11+$0xFFFFFFF0] =	vst v7;
	v1 =	vmov v10  }
0xd6: {  	v10 =	vor.u32 v20, v3;
	v12 =	vld.idx.msk [tilespmem:v16+s20+$0x0], $0xffff  }
0xd7: {  	v3 =	vld [tilespmem:s12+$0x10];
	v7 =	vand.u32 $0x7F, v5;
	v5 =	vshll.u32 v5, $0x1  }
0xd8: {  	v14 =	vshll.u32 v6, $0x1;
	v5 =	vand.u32 $0xFFFFFF00, v5;
	v16 =	vld.idx.msk [tilespmem:v15+s20+$0x0], $0xffff  }
0xd9: {  	v14 =	vand.u32 $0xFFFFFF00, v14;
	v7 =	vor.u32 v7, v5;
	v5 =	vld.idx.msk [tilespmem:v4+s20+$0x0], $0xffff  }
0xda: {  	v15 =	vor.u32 $0x80, v15;
	v17 =	vld.idx.msk [tilespmem:v13+s20+$0x0], $0xffff;
	[tilespmem:s11+$0xFFFFFFE0] =	vst v8  }
0xdb: {  	v4 =	vor.u32 $0x80, v4;
	[tilespmem:s11+$0x0] =	vst v9;
	v8 =	vld.idx.msk [tilespmem:v11+s20+$0x0], $0xffff  }
0xdc: {  	v9 =	vor.u32 $0x80, v13;
	v13 =	vld.idx.msk [tilespmem:v19+s20+$0x0], $0xffff;
	[tilespmem:s11+$0x70] =	vst v12  }
0xdd: {  	v12 =	vld.idx.msk [tilespmem:v10+s20+$0x0], $0xffff  }
0xde: {  	v20 =	vor.u32 $0x80, v11;
	v19 =	vor.u32 $0x80, v10;
	v18 =	vld [tilespmem:s12+$0x20];
	[tilespmem:s11+$0xFFFFFFD0] =	vst v16  }
0xdf: {  	[tilespmem:s11+$0xFFFFFFA0] =	vst v5;
	v15 =	vld.idx.msk [tilespmem:v15+s20+$0x0], $0xffff  }
0xe0: {  	v5 =	vand.u32 $0x7F, v6;
	v4 =	vld.idx.msk [tilespmem:v4+s20+$0x0], $0xffff;
	[tilespmem:s11+$0xFFFFFFB0] =	vst v17  }
.Ltmp5:
0xe1: {  	v11 =	vor.u32 v5, v14;
	v10 =	vld.idx.msk [tilespmem:v9+s20+$0x0], $0xffff;
	[tilespmem:s11+$0xFFFFFFC0] =	vst v8;
	(pc) =	sbr.rel @p0 .LBB2_11-.Ltmp5, $4  }
0xe2: {  	v9 =	vld [tilespmem:s12+$0x0];
	[tilespmem:s11+$0x60] =	vst v13  }
0xe3: {  	v6 =	vshll.u32 v18, $0x1;
	[tilespmem:s11+$0xFFFFFF90] =	vst v12;
	v5 =	vld.idx.msk [tilespmem:v20+s20+$0x0], $0xffff  }
0xe4: {  	v12 =	vand.u32 $0xFFFFFF00, v6;
	v6 =	vld.idx.msk [tilespmem:v19+s20+$0x0], $0xffff  }
0xe5: {  	v13 =	vand.u32 $0x7F, v18;
	v8 =	vld [tilespmem:s12+$0xFFFFFFD0];
	[tilespmem:s11+$0x50] =	vst v15  }
0xe6: {  	_ =	sdelay $0x2  }
0xe7: {  	v14 =	vor.u32 $0x80, v11  }
0xe8: {  	v11 =	vld.idx.msk [tilespmem:v11+s20+$0x0], $0xffff;
	v15 =	vshll.u32 v3, $0x1;
	v16 =	vor.u32 $0x80, v7;
	v12 =	vor.u32 v13, v12  }
0xe9: {  	v3 =	vand.u32 $0x7F, v3;
	v7 =	vld.idx.msk [tilespmem:v7+s20+$0x0], $0xffff;
	v17 =	vand.u32 $0x7F, v2;
	v2 =	vshll.u32 v2, $0x1  }
0xea: {  	v18 =	vshll.u32 v1, $0x1;
	v1 =	vand.u32 $0x7F, v1;
	v15 =	vand.u32 $0xFFFFFF00, v15  }
0xeb: {  	v13 =	vand.u32 $0x7F, v9;
	v2 =	vand.u32 $0xFFFFFF00, v2;
	v3 =	vor.u32 v3, v15  }
0xec: {  	s11 =	sadd.s32 $0x100, s11;
	[tilespmem:s16+$0x30] =	vst v10;
	v9 =	vshll.u32 v9, $0x1;
	v10 =	vand.u32 $0xFFFFFF00, v18;
	v2 =	vor.u32 v17, v2  }
0xed: {  	v1 =	vor.u32 v1, v10;
	v9 =	vand.u32 $0xFFFFFF00, v9;
	[tilespmem:s11+$0xFFFFFF80] =	vst v11;
	v11 =	vshll.u32 v8, $0x1;
	v10 =	vld.idx.msk [tilespmem:v12+s20+$0x0], $0xffff  }
0xee: {  	v9 =	vor.u32 v13, v9;
	v8 =	vand.u32 $0x7F, v8;
	[tilespmem:s11+$0xFFFFFFF0] =	vst v7;
	v14 =	vld.idx.msk [tilespmem:v14+s20+$0x0], $0xffff;
	v11 =	vand.u32 $0xFFFFFF00, v11  }
0xef: {  	[tilespmem:s16+$0x20] =	vst v4;
	v7 =	vld.idx.msk [tilespmem:v16+s20+$0x0], $0xffff;
	v4 =	vor.u32 v8, v11  }
0xf0: {  	[tilespmem:s16+$0x40] =	vst v5;
	v8 =	vor.u32 $0x80, v12;
	v5 =	vld.idx.msk [tilespmem:v3+s20+$0x0], $0xffff  }
0xf1: {  	[tilespmem:s16+$0x10] =	vst v6;
	v6 =	vld.idx.msk [tilespmem:v2+s20+$0x0], $0xffff;
	v3 =	vor.u32 $0x80, v3  }
0xf2: {  	v11 =	vld.idx.msk [tilespmem:v1+s20+$0x0], $0xffff;
	v2 =	vor.u32 $0x80, v2;
	[tilespmem:s11+$0xFFFFFFE0] =	vst v10  }
0xf3: {  	v1 =	vor.u32 $0x80, v1;
	v10 =	vld.idx.msk [tilespmem:v9+s20+$0x0], $0xffff;
	[tilespmem:s11+$0x0] =	vst v14  }
0xf4: {  	v9 =	vor.u32 $0x80, v9;
	[tilespmem:s11+$0x70] =	vst v7;
	v7 =	vld.idx.msk [tilespmem:v4+s20+$0x0], $0xffff  }
0xf5: {  	v8 =	vld.idx.msk [tilespmem:v8+s20+$0x0], $0xffff;
	v4 =	vor.u32 $0x80, v4;
	[tilespmem:s11+$0xFFFFFFD0] =	vst v5  }
0xf6: {  	[tilespmem:s11+$0xFFFFFFB0] =	vst v6;
	v3 =	vld.idx.msk [tilespmem:v3+s20+$0x0], $0xffff  }
0xf7: {  	[tilespmem:s11+$0xFFFFFFA0] =	vst v11;
	v2 =	vld.idx.msk [tilespmem:v2+s20+$0x0], $0xffff  }
0xf8: {  	v1 =	vld.idx.msk [tilespmem:v1+s20+$0x0], $0xffff;
	[tilespmem:s11+$0xFFFFFFC0] =	vst v10  }
0xf9: {  	v5 =	vld.idx.msk [tilespmem:v9+s20+$0x0], $0xffff;
	[tilespmem:s11+$0xFFFFFF90] =	vst v7  }
0xfa: {  	[tilespmem:s11+$0x60] =	vst v8;
	v4 =	vld.idx.msk [tilespmem:v4+s20+$0x0], $0xffff  }
0xfb: {  	[tilespmem:s11+$0x50] =	vst v3  }
0xfc: {  	[tilespmem:s11+$0x30] =	vst v2  }
0xfd: {  	p0 =	seq.s32 s22, $0xF;
	[tilespmem:s11+$0x20] =	vst v1  }
0xfe: {  	s10 =	sadd.s32 @!p0 s10, s13;
	[tilespmem:s11+$0x40] =	vst v5  }
0xff: {  	s12 =	simm.s32 @!p0 $0x100;
	s10 =	sshrl.u32 @!p0 s10, $0x3;
	s16 =	sadd.s32 s7, s14;
	[tilespmem:s11+$0x10] =	vst v4  }
0x100: {  	[hbm4b:s16+s17] =	stream.strided.scatter [tilespmem:s29], [sflag:$0x6], $0x4000, s18, s17, $0x38;
	[tilespmem:$0x1A000] =	vst v63  }
0x101: {  	s23 =	simm.s32 @!p0 $0x6000;
	s11 =	sadd.s32 @!p0 s10, s8;
	s16 =	simm.s32 @!p0 $0x400  }
0x102: {  	[tilespmem:s23], [sflag:$0x2] =	stream.strided.gather @!p0 [hbm4b:s11+s12], $0x4000, s16, s12, $0x38;
	[tilespmem:$0x1A000] =	vst v63  }
0x103: {  	_ =	swait.ge [sflag:s30], $0x4000  }
0x104: {  	[sflag:s30] =	ssyncset.done $0x0  }
0x105: {  	[sflag:s30] =	ssyncadd.s32 $0xFFFFC000  }
0x106: {  	_ =	swait.ge [sflag:s31], $0x4000  }
0x107: {  	[sflag:s31] =	ssyncset.done $0x0  }
0x108: {  	s23 =	simm.s32 $0x40;
	[sflag:s31] =	ssyncadd.s32 $0xFFFFC000  }
0x109: {  	v1 =	vld [tilespmem:s23+$0xFFFFFFC0]  }
0x10a: {  	v2 =	vld [tilespmem:s23+$0x30];
	_ =	sdelay $0x3  }
0x10b: {  	v5 =	vld [tilespmem:s23+$0x20];
	v3 =	vshll.u32 v1, $0x1  }
0x10c: {  	v6 =	vld [tilespmem:s23+$0xFFFFFFE0];
	v4 =	vshll.u32 v2, $0x1;
	v1 =	vand.u32 $0x7F, v1;
	v3 =	vand.u32 $0xFFFFFF00, v3  }
0x10d: {  	v2 =	vand.u32 $0x7F, v2;
	v4 =	vand.u32 $0xFFFFFF00, v4;
	v1 =	vor.u32 v1, v3  }
0x10e: {  	v7 =	vld [tilespmem:s23+$0x0];
	v2 =	vor.u32 v2, v4  }
0x10f: {  	v4 =	vld [tilespmem:s23+$0x10]  }
0x110: {  	v8 =	vshll.u32 v5, $0x1;
	v3 =	vld [tilespmem:s23+$0xFFFFFFF0]  }
0x111: {  	v9 =	vld [tilespmem:s23+$0xFFFFFFD0];
	v5 =	vand.u32 $0x7F, v5;
	v15 =	vshll.u32 v6, $0x1;
	v8 =	vand.u32 $0xFFFFFF00, v8  }
0x112: {  	v6 =	vand.u32 $0x7F, v6;
	v15 =	vand.u32 $0xFFFFFF00, v15;
	v5 =	vor.u32 v5, v8;
	v10 =	vld.idx.msk [tilespmem:v1+s21+$0x0], $0xffff  }
0x113: {  	s12 =	simm.s32 $0xC0;
	v6 =	vor.u32 v6, v15;
	v11 =	vor.u32 $0x80, v1;
	v8 =	vld.idx.msk [tilespmem:v2+s21+$0x0], $0xffff  }
0x114: {  	v61 =	vld [tilespmem:s12+$0x30];
	v13 =	vor.u32 $0x80, v2;
	v12 =	vshll.u32 v4, $0x1;
	v4 =	vand.u32 $0x7F, v4  }
0x115: {  	v62 =	vld [tilespmem:s12+$0xFFFFFFC0];
	v14 =	vand.u32 $0x7F, v3;
	v3 =	vshll.u32 v3, $0x1;
	v12 =	vand.u32 $0xFFFFFF00, v12  }
0x116: {  	s11 =	simm.s32 $0x12080;
	v19 =	vld [tilespmem:s12+$0x20];
	v3 =	vand.u32 $0xFFFFFF00, v3;
	v4 =	vor.u32 v4, v12;
	v12 =	vshll.u32 v7, $0x1  }
0x117: {  	v7 =	vand.u32 $0x7F, v7;
	v14 =	vor.u32 v14, v3;
	v3 =	vand.u32 $0xFFFFFF00, v12;
	[tilespmem:s11+$0xFFFFFF80] =	vst v10;
	v10 =	vld.idx.msk [tilespmem:v5+s21+$0x0], $0xffff  }
0x118: {  	v7 =	vor.u32 v7, v3;
	[tilespmem:s11+$0xFFFFFFF0] =	vst v8;
	v8 =	vshll.u32 v9, $0x1;
	v11 =	vld.idx.msk [tilespmem:v11+s21+$0x0], $0xffff  }
0x119: {  	v5 =	vor.u32 $0x80, v5;
	v9 =	vand.u32 $0x7F, v9;
	v12 =	vld.idx.msk [tilespmem:v13+s21+$0x0], $0xffff;
	v8 =	vand.u32 $0xFFFFFF00, v8  }
0x11a: {  	v13 =	vld.idx.msk [tilespmem:v6+s21+$0x0], $0xffff;
	v8 =	vor.u32 v9, v8  }
0x11b: {  	v9 =	vld.idx.msk [tilespmem:v4+s21+$0x0], $0xffff  }
0x11c: {  	v15 =	vld.idx.msk [tilespmem:v14+s21+$0x0], $0xffff;
	v4 =	vor.u32 $0x80, v4  }
0x11d: {  	v6 =	vor.u32 $0x80, v6;
	v63 =	vld.idx.msk [tilespmem:v7+s21+$0x0], $0xffff;
	[tilespmem:s11+$0xFFFFFFE0] =	vst v10  }
0x11e: {  	v10 =	vor.u32 $0x80, v14;
	v14 =	vld.idx.msk [tilespmem:v5+s21+$0x0], $0xffff  }
0x11f: {  	v7 =	vor.u32 $0x80, v7;
	[tilespmem:s11+$0x0] =	vst v11;
	v5 =	vld.idx.msk [tilespmem:v8+s21+$0x0], $0xffff  }
0x120: {  	v1 =	vld [tilespmem:s12+$0xFFFFFFE0];
	[tilespmem:s11+$0xFFFFFFD0] =	vst v9  }
0x121: {  	[tilespmem:s11+$0xFFFFFFA0] =	vst v13;
	v20 =	vld.idx.msk [tilespmem:v4+s21+$0x0], $0xffff  }
0x122: {  	[tilespmem:s11+$0x70] =	vst v12;
	v11 =	vshll.u32 v62, $0x1;
	v4 =	vld.idx.msk [tilespmem:v6+s21+$0x0], $0xffff;
	v6 =	vshll.u32 v61, $0x1  }
0x123: {  	v3 =	vld [tilespmem:s12+$0x10];
	v12 =	vand.u32 $0x7F, v61;
	v8 =	vor.u32 $0x80, v8;
	[tilespmem:s11+$0xFFFFFFC0] =	vst v63;
	v6 =	vand.u32 $0xFFFFFF00, v6  }
0x124: {  	v11 =	vand.u32 $0xFFFFFF00, v11;
	[tilespmem:s11+$0xFFFFFF90] =	vst v5;
	v5 =	vld.idx.msk [tilespmem:v7+s21+$0x0], $0xffff;
	v7 =	vor.u32 v12, v6;
	v12 =	vand.u32 $0x7F, v62  }
0x125: {  	[tilespmem:s11+$0xFFFFFFB0] =	vst v15;
	v9 =	vld [tilespmem:s12+$0x0];
	v11 =	vor.u32 v12, v11  }
0x126: {  	v10 =	vld.idx.msk [tilespmem:v10+s21+$0x0], $0xffff  }
0x127: {  	v2 =	vld [tilespmem:s12+$0xFFFFFFF0]  }
0x128: {  	v13 =	vshll.u32 v19, $0x1;
	[tilespmem:s11+$0x60] =	vst v14;
	v6 =	vld.idx.msk [tilespmem:v8+s21+$0x0], $0xffff  }
0x129: {  	s16 =	simm.s32 $0x12080;
	s23 =	simm.s32 $0x8;
	v12 =	vand.u32 $0xFFFFFF00, v13;
	v8 =	vld [tilespmem:s12+$0xFFFFFFD0];
	v13 =	vand.u32 $0x7F, v19;
	[tilespmem:s11+$0x50] =	vst v20  }
.LBB2_13:
0x12a: {  	s23 =	sadd.s32 $0x8, s23;
	v14 =	vld.idx.msk [tilespmem:v11+s21+$0x0], $0xffff;
	v11 =	vor.u32 $0x80, v11;
	v15 =	vshll.u32 v3, $0x1;
	v16 =	vor.u32 $0x80, v7;
	s11 =	sadd.s32 $0x100, s11  }
0x12b: {  	v3 =	vand.u32 $0x7F, v3;
	v12 =	vor.u32 v13, v12;
	s12 =	sadd.s32 $0x80, s12;
	p1 =	slt.u32 s23, $0x1F8;
	v17 =	vand.u32 $0x7F, v9;
	v7 =	vld.idx.msk [tilespmem:v7+s21+$0x0], $0xffff;
	[tilespmem:s16+$0x30] =	vst v10  }
0x12c: {  	v13 =	vand.u32 $0x7F, v2;
	v18 =	vshll.u32 v2, $0x1;
	v19 =	vor.u32 $0x80, v12;
	v10 =	vld [tilespmem:s12+$0xFFFFFFE0];
	[tilespmem:s16+$0x20] =	vst v4  }
0x12d: {  	v18 =	vand.u32 $0xFFFFFF00, v18;
	v9 =	vshll.u32 v9, $0x1;
	v4 =	vshll.u32 v1, $0x1;
	v2 =	vld [tilespmem:s12+$0xFFFFFFF0];
	[tilespmem:s16+$0x40] =	vst v5  }
0x12e: {  	v15 =	vand.u32 $0xFFFFFF00, v15;
	v4 =	vand.u32 $0xFFFFFF00, v4;
	v5 =	vld [tilespmem:s12+$0x30];
	v20 =	vand.u32 $0x7F, v8;
	[tilespmem:s16+$0x10] =	vst v6;
	s16 =	smov.u32 s11  }
0x12f: {  	v21 =	vand.u32 $0x7F, v1;
	v13 =	vor.u32 v13, v18;
	v15 =	vor.u32 v3, v15;
	v6 =	vld [tilespmem:s12+$0xFFFFFFC0]  }
0x130: {  	v3 =	vshll.u32 v8, $0x1;
	v4 =	vor.u32 v21, v4;
	[tilespmem:s11+$0xFFFFFF80] =	vst v14;
	v14 =	vand.u32 $0xFFFFFF00, v9;
	v8 =	vld.idx.msk [tilespmem:v12+s21+$0x0], $0xffff  }
0x131: {  	v3 =	vand.u32 $0xFFFFFF00, v3;
	v9 =	vld.idx.msk [tilespmem:v11+s21+$0x0], $0xffff;
	v11 =	vor.u32 v17, v14;
	[tilespmem:s11+$0xFFFFFFF0] =	vst v7;
	v1 =	vmov v10  }
0x132: {  	v10 =	vor.u32 v20, v3;
	v12 =	vld.idx.msk [tilespmem:v16+s21+$0x0], $0xffff  }
0x133: {  	v3 =	vld [tilespmem:s12+$0x10];
	v7 =	vand.u32 $0x7F, v5;
	v5 =	vshll.u32 v5, $0x1  }
0x134: {  	v14 =	vshll.u32 v6, $0x1;
	v5 =	vand.u32 $0xFFFFFF00, v5;
	v16 =	vld.idx.msk [tilespmem:v15+s21+$0x0], $0xffff  }
0x135: {  	v14 =	vand.u32 $0xFFFFFF00, v14;
	v7 =	vor.u32 v7, v5;
	v5 =	vld.idx.msk [tilespmem:v4+s21+$0x0], $0xffff  }
0x136: {  	v15 =	vor.u32 $0x80, v15;
	v17 =	vld.idx.msk [tilespmem:v13+s21+$0x0], $0xffff;
	[tilespmem:s11+$0xFFFFFFE0] =	vst v8  }
0x137: {  	v4 =	vor.u32 $0x80, v4;
	[tilespmem:s11+$0x0] =	vst v9;
	v8 =	vld.idx.msk [tilespmem:v11+s21+$0x0], $0xffff  }
0x138: {  	v9 =	vor.u32 $0x80, v13;
	v13 =	vld.idx.msk [tilespmem:v19+s21+$0x0], $0xffff;
	[tilespmem:s11+$0x70] =	vst v12  }
0x139: {  	v12 =	vld.idx.msk [tilespmem:v10+s21+$0x0], $0xffff  }
0x13a: {  	v20 =	vor.u32 $0x80, v11;
	v19 =	vor.u32 $0x80, v10;
	v18 =	vld [tilespmem:s12+$0x20];
	[tilespmem:s11+$0xFFFFFFD0] =	vst v16  }
0x13b: {  	[tilespmem:s11+$0xFFFFFFA0] =	vst v5;
	v15 =	vld.idx.msk [tilespmem:v15+s21+$0x0], $0xffff  }
0x13c: {  	v5 =	vand.u32 $0x7F, v6;
	v4 =	vld.idx.msk [tilespmem:v4+s21+$0x0], $0xffff;
	[tilespmem:s11+$0xFFFFFFB0] =	vst v17  }
.Ltmp6:
0x13d: {  	v11 =	vor.u32 v5, v14;
	v10 =	vld.idx.msk [tilespmem:v9+s21+$0x0], $0xffff;
	[tilespmem:s11+$0xFFFFFFC0] =	vst v8;
	(pc) =	sbr.rel @p1 .LBB2_13-.Ltmp6, $4  }
0x13e: {  	v9 =	vld [tilespmem:s12+$0x0];
	[tilespmem:s11+$0x60] =	vst v13  }
0x13f: {  	v6 =	vshll.u32 v18, $0x1;
	[tilespmem:s11+$0xFFFFFF90] =	vst v12;
	v5 =	vld.idx.msk [tilespmem:v20+s21+$0x0], $0xffff  }
0x140: {  	v12 =	vand.u32 $0xFFFFFF00, v6;
	v6 =	vld.idx.msk [tilespmem:v19+s21+$0x0], $0xffff  }
0x141: {  	v13 =	vand.u32 $0x7F, v18;
	v8 =	vld [tilespmem:s12+$0xFFFFFFD0];
	[tilespmem:s11+$0x50] =	vst v15  }
0x142: {  	_ =	sdelay $0x2  }
0x143: {  	v14 =	vor.u32 $0x80, v11  }
0x144: {  	v11 =	vld.idx.msk [tilespmem:v11+s21+$0x0], $0xffff;
	v15 =	vshll.u32 v3, $0x1;
	v16 =	vor.u32 $0x80, v7;
	v12 =	vor.u32 v13, v12  }
0x145: {  	v3 =	vand.u32 $0x7F, v3;
	v7 =	vld.idx.msk [tilespmem:v7+s21+$0x0], $0xffff;
	v17 =	vand.u32 $0x7F, v2;
	v2 =	vshll.u32 v2, $0x1  }
0x146: {  	v18 =	vshll.u32 v1, $0x1;
	v1 =	vand.u32 $0x7F, v1;
	v15 =	vand.u32 $0xFFFFFF00, v15  }
0x147: {  	v13 =	vand.u32 $0x7F, v9;
	v2 =	vand.u32 $0xFFFFFF00, v2;
	v3 =	vor.u32 v3, v15  }
0x148: {  	s11 =	sadd.s32 $0x100, s11;
	[tilespmem:s16+$0x30] =	vst v10;
	v9 =	vshll.u32 v9, $0x1;
	v10 =	vand.u32 $0xFFFFFF00, v18;
	v2 =	vor.u32 v17, v2  }
0x149: {  	v1 =	vor.u32 v1, v10;
	v9 =	vand.u32 $0xFFFFFF00, v9;
	[tilespmem:s11+$0xFFFFFF80] =	vst v11;
	v11 =	vshll.u32 v8, $0x1;
	v10 =	vld.idx.msk [tilespmem:v12+s21+$0x0], $0xffff  }
0x14a: {  	v9 =	vor.u32 v13, v9;
	v8 =	vand.u32 $0x7F, v8;
	[tilespmem:s11+$0xFFFFFFF0] =	vst v7;
	v14 =	vld.idx.msk [tilespmem:v14+s21+$0x0], $0xffff;
	v11 =	vand.u32 $0xFFFFFF00, v11  }
0x14b: {  	[tilespmem:s16+$0x20] =	vst v4;
	v7 =	vld.idx.msk [tilespmem:v16+s21+$0x0], $0xffff;
	v4 =	vor.u32 v8, v11  }
0x14c: {  	[tilespmem:s16+$0x40] =	vst v5;
	v8 =	vor.u32 $0x80, v12;
	v5 =	vld.idx.msk [tilespmem:v3+s21+$0x0], $0xffff  }
0x14d: {  	[tilespmem:s16+$0x10] =	vst v6;
	v6 =	vld.idx.msk [tilespmem:v2+s21+$0x0], $0xffff;
	v3 =	vor.u32 $0x80, v3  }
0x14e: {  	v11 =	vld.idx.msk [tilespmem:v1+s21+$0x0], $0xffff;
	v2 =	vor.u32 $0x80, v2;
	[tilespmem:s11+$0xFFFFFFE0] =	vst v10  }
0x14f: {  	v1 =	vor.u32 $0x80, v1;
	v10 =	vld.idx.msk [tilespmem:v9+s21+$0x0], $0xffff;
	[tilespmem:s11+$0x0] =	vst v14  }
0x150: {  	v9 =	vor.u32 $0x80, v9;
	[tilespmem:s11+$0x70] =	vst v7;
	v7 =	vld.idx.msk [tilespmem:v4+s21+$0x0], $0xffff  }
0x151: {  	v8 =	vld.idx.msk [tilespmem:v8+s21+$0x0], $0xffff;
	v4 =	vor.u32 $0x80, v4;
	[tilespmem:s11+$0xFFFFFFD0] =	vst v5  }
0x152: {  	[tilespmem:s11+$0xFFFFFFB0] =	vst v6;
	v3 =	vld.idx.msk [tilespmem:v3+s21+$0x0], $0xffff  }
0x153: {  	[tilespmem:s11+$0xFFFFFFA0] =	vst v11;
	v2 =	vld.idx.msk [tilespmem:v2+s21+$0x0], $0xffff  }
0x154: {  	v1 =	vld.idx.msk [tilespmem:v1+s21+$0x0], $0xffff;
	[tilespmem:s11+$0xFFFFFFC0] =	vst v10  }
0x155: {  	v5 =	vld.idx.msk [tilespmem:v9+s21+$0x0], $0xffff;
	[tilespmem:s11+$0xFFFFFF90] =	vst v7  }
0x156: {  	[tilespmem:s11+$0x60] =	vst v8;
	v4 =	vld.idx.msk [tilespmem:v4+s21+$0x0], $0xffff  }
0x157: {  	[tilespmem:s11+$0x50] =	vst v3  }
0x158: {  	[tilespmem:s11+$0x30] =	vst v2  }
0x159: {  	[tilespmem:s11+$0x20] =	vst v1  }
0x15a: {  	[tilespmem:s11+$0x40] =	vst v5  }
0x15b: {  	s7 =	sadd.s32 s7, s15;
	s12 =	simm.s32 @!p0 $0xA000;
	[tilespmem:s11+$0x10] =	vst v4  }
0x15c: {  	[hbm4b:s7+s17] =	stream.strided.scatter [tilespmem:s25], [sflag:$0x5], $0x4000, s18, s17, $0x38;
	[tilespmem:$0x1A000] =	vst v63  }
0x15d: {  	s11 =	simm.s32 @!p0 $0x400;
	s7 =	sadd.s32 @!p0 s10, s9;
	s10 =	simm.s32 @!p0 $0x100  }
0x15e: {  	[tilespmem:s12], [sflag:$0x3] =	stream.strided.gather @!p0 [hbm4b:s7+s10], $0x4000, s11, s10, $0x38;
	[tilespmem:$0x1A000] =	vst v63  }
0x15f: {  	_ =	swait.ge [sflag:s2], $0x4000  }
0x160: {  	[sflag:s2] =	ssyncset.done $0x0  }
0x161: {  	[sflag:s2] =	ssyncadd.s32 $0xFFFFC000  }
0x162: {  	_ =	swait.ge [sflag:s28], $0x4000  }
0x163: {  	[sflag:s28] =	ssyncset.done $0x0  }
0x164: {  	s23 =	simm.s32 $0x40;
	[sflag:s28] =	ssyncadd.s32 $0xFFFFC000  }
0x165: {  	v1 =	vld [tilespmem:s23+$0xFFFFFFC0]  }
0x166: {  	v2 =	vld [tilespmem:s23+$0x30];
	_ =	sdelay $0x3  }
0x167: {  	v5 =	vld [tilespmem:s23+$0x20];
	v3 =	vshll.u32 v1, $0x1  }
0x168: {  	v6 =	vld [tilespmem:s23+$0xFFFFFFE0];
	v4 =	vshll.u32 v2, $0x1;
	v1 =	vand.u32 $0x7F, v1;
	v3 =	vand.u32 $0xFFFFFF00, v3  }
0x169: {  	v2 =	vand.u32 $0x7F, v2;
	v4 =	vand.u32 $0xFFFFFF00, v4;
	v1 =	vor.u32 v1, v3  }
0x16a: {  	v7 =	vld [tilespmem:s23+$0x0];
	v2 =	vor.u32 v2, v4  }
0x16b: {  	v4 =	vld [tilespmem:s23+$0x10]  }
0x16c: {  	v8 =	vshll.u32 v5, $0x1;
	v3 =	vld [tilespmem:s23+$0xFFFFFFF0]  }
0x16d: {  	v9 =	vld [tilespmem:s23+$0xFFFFFFD0];
	v5 =	vand.u32 $0x7F, v5;
	v15 =	vshll.u32 v6, $0x1;
	v8 =	vand.u32 $0xFFFFFF00, v8  }
0x16e: {  	v6 =	vand.u32 $0x7F, v6;
	v15 =	vand.u32 $0xFFFFFF00, v15;
	v5 =	vor.u32 v5, v8;
	v10 =	vld.idx.msk [tilespmem:v1+s24+$0x0], $0xffff  }
0x16f: {  	s10 =	simm.s32 $0xC0;
	v6 =	vor.u32 v6, v15;
	v11 =	vor.u32 $0x80, v1;
	v8 =	vld.idx.msk [tilespmem:v2+s24+$0x0], $0xffff  }
0x170: {  	v61 =	vld [tilespmem:s10+$0x30];
	v13 =	vor.u32 $0x80, v2;
	v12 =	vshll.u32 v4, $0x1;
	v4 =	vand.u32 $0x7F, v4  }
0x171: {  	v62 =	vld [tilespmem:s10+$0xFFFFFFC0];
	v14 =	vand.u32 $0x7F, v3;
	v3 =	vshll.u32 v3, $0x1;
	v12 =	vand.u32 $0xFFFFFF00, v12  }
0x172: {  	s7 =	simm.s32 $0x16080;
	v19 =	vld [tilespmem:s10+$0x20];
	v3 =	vand.u32 $0xFFFFFF00, v3;
	v4 =	vor.u32 v4, v12;
	v12 =	vshll.u32 v7, $0x1  }
0x173: {  	v7 =	vand.u32 $0x7F, v7;
	v14 =	vor.u32 v14, v3;
	v3 =	vand.u32 $0xFFFFFF00, v12;
	[tilespmem:s7+$0xFFFFFF80] =	vst v10;
	v10 =	vld.idx.msk [tilespmem:v5+s24+$0x0], $0xffff  }
0x174: {  	v7 =	vor.u32 v7, v3;
	[tilespmem:s7+$0xFFFFFFF0] =	vst v8;
	v8 =	vshll.u32 v9, $0x1;
	v11 =	vld.idx.msk [tilespmem:v11+s24+$0x0], $0xffff  }
0x175: {  	v5 =	vor.u32 $0x80, v5;
	v9 =	vand.u32 $0x7F, v9;
	v12 =	vld.idx.msk [tilespmem:v13+s24+$0x0], $0xffff;
	v8 =	vand.u32 $0xFFFFFF00, v8  }
0x176: {  	v13 =	vld.idx.msk [tilespmem:v6+s24+$0x0], $0xffff;
	v8 =	vor.u32 v9, v8  }
0x177: {  	v9 =	vld.idx.msk [tilespmem:v4+s24+$0x0], $0xffff  }
0x178: {  	v15 =	vld.idx.msk [tilespmem:v14+s24+$0x0], $0xffff;
	v4 =	vor.u32 $0x80, v4  }
0x179: {  	v6 =	vor.u32 $0x80, v6;
	v63 =	vld.idx.msk [tilespmem:v7+s24+$0x0], $0xffff;
	[tilespmem:s7+$0xFFFFFFE0] =	vst v10  }
0x17a: {  	v10 =	vor.u32 $0x80, v14;
	v14 =	vld.idx.msk [tilespmem:v5+s24+$0x0], $0xffff  }
0x17b: {  	v7 =	vor.u32 $0x80, v7;
	[tilespmem:s7+$0x0] =	vst v11;
	v5 =	vld.idx.msk [tilespmem:v8+s24+$0x0], $0xffff  }
0x17c: {  	v1 =	vld [tilespmem:s10+$0xFFFFFFE0];
	[tilespmem:s7+$0xFFFFFFD0] =	vst v9  }
0x17d: {  	[tilespmem:s7+$0xFFFFFFA0] =	vst v13;
	v20 =	vld.idx.msk [tilespmem:v4+s24+$0x0], $0xffff  }
0x17e: {  	[tilespmem:s7+$0x70] =	vst v12;
	v11 =	vshll.u32 v62, $0x1;
	v4 =	vld.idx.msk [tilespmem:v6+s24+$0x0], $0xffff;
	v6 =	vshll.u32 v61, $0x1  }
0x17f: {  	v3 =	vld [tilespmem:s10+$0x10];
	v12 =	vand.u32 $0x7F, v61;
	v8 =	vor.u32 $0x80, v8;
	[tilespmem:s7+$0xFFFFFFC0] =	vst v63;
	v6 =	vand.u32 $0xFFFFFF00, v6  }
0x180: {  	v11 =	vand.u32 $0xFFFFFF00, v11;
	[tilespmem:s7+$0xFFFFFF90] =	vst v5;
	v5 =	vld.idx.msk [tilespmem:v7+s24+$0x0], $0xffff;
	v7 =	vor.u32 v12, v6;
	v12 =	vand.u32 $0x7F, v62  }
0x181: {  	[tilespmem:s7+$0xFFFFFFB0] =	vst v15;
	v9 =	vld [tilespmem:s10+$0x0];
	v11 =	vor.u32 v12, v11  }
0x182: {  	v10 =	vld.idx.msk [tilespmem:v10+s24+$0x0], $0xffff  }
0x183: {  	v2 =	vld [tilespmem:s10+$0xFFFFFFF0]  }
0x184: {  	v13 =	vshll.u32 v19, $0x1;
	[tilespmem:s7+$0x60] =	vst v14;
	v6 =	vld.idx.msk [tilespmem:v8+s24+$0x0], $0xffff  }
0x185: {  	s12 =	simm.s32 $0x8;
	s11 =	simm.s32 $0x16080;
	v12 =	vand.u32 $0xFFFFFF00, v13;
	v8 =	vld [tilespmem:s10+$0xFFFFFFD0];
	v13 =	vand.u32 $0x7F, v19;
	[tilespmem:s7+$0x50] =	vst v20  }
.LBB2_15:
0x186: {  	s12 =	sadd.s32 $0x8, s12;
	v14 =	vld.idx.msk [tilespmem:v11+s24+$0x0], $0xffff;
	v11 =	vor.u32 $0x80, v11;
	v15 =	vshll.u32 v3, $0x1;
	v16 =	vor.u32 $0x80, v7;
	s7 =	sadd.s32 $0x100, s7  }
0x187: {  	v3 =	vand.u32 $0x7F, v3;
	v12 =	vor.u32 v13, v12;
	s10 =	sadd.s32 $0x80, s10;
	p0 =	slt.u32 s12, $0x1F8;
	v17 =	vand.u32 $0x7F, v9;
	v7 =	vld.idx.msk [tilespmem:v7+s24+$0x0], $0xffff;
	[tilespmem:s11+$0x30] =	vst v10  }
0x188: {  	v13 =	vand.u32 $0x7F, v2;
	v18 =	vshll.u32 v2, $0x1;
	v19 =	vor.u32 $0x80, v12;
	v10 =	vld [tilespmem:s10+$0xFFFFFFE0];
	[tilespmem:s11+$0x20] =	vst v4  }
0x189: {  	v18 =	vand.u32 $0xFFFFFF00, v18;
	v9 =	vshll.u32 v9, $0x1;
	v4 =	vshll.u32 v1, $0x1;
	v2 =	vld [tilespmem:s10+$0xFFFFFFF0];
	[tilespmem:s11+$0x40] =	vst v5  }
0x18a: {  	v15 =	vand.u32 $0xFFFFFF00, v15;
	v4 =	vand.u32 $0xFFFFFF00, v4;
	v5 =	vld [tilespmem:s10+$0x30];
	v20 =	vand.u32 $0x7F, v8;
	[tilespmem:s11+$0x10] =	vst v6;
	s11 =	smov.u32 s7  }
0x18b: {  	v21 =	vand.u32 $0x7F, v1;
	v13 =	vor.u32 v13, v18;
	v15 =	vor.u32 v3, v15;
	v6 =	vld [tilespmem:s10+$0xFFFFFFC0]  }
0x18c: {  	v3 =	vshll.u32 v8, $0x1;
	v4 =	vor.u32 v21, v4;
	[tilespmem:s7+$0xFFFFFF80] =	vst v14;
	v14 =	vand.u32 $0xFFFFFF00, v9;
	v8 =	vld.idx.msk [tilespmem:v12+s24+$0x0], $0xffff  }
0x18d: {  	v3 =	vand.u32 $0xFFFFFF00, v3;
	v9 =	vld.idx.msk [tilespmem:v11+s24+$0x0], $0xffff;
	v11 =	vor.u32 v17, v14;
	[tilespmem:s7+$0xFFFFFFF0] =	vst v7;
	v1 =	vmov v10  }
0x18e: {  	v10 =	vor.u32 v20, v3;
	v12 =	vld.idx.msk [tilespmem:v16+s24+$0x0], $0xffff  }
0x18f: {  	v3 =	vld [tilespmem:s10+$0x10];
	v7 =	vand.u32 $0x7F, v5;
	v5 =	vshll.u32 v5, $0x1  }
0x190: {  	v14 =	vshll.u32 v6, $0x1;
	v5 =	vand.u32 $0xFFFFFF00, v5;
	v16 =	vld.idx.msk [tilespmem:v15+s24+$0x0], $0xffff  }
0x191: {  	v14 =	vand.u32 $0xFFFFFF00, v14;
	v7 =	vor.u32 v7, v5;
	v5 =	vld.idx.msk [tilespmem:v4+s24+$0x0], $0xffff  }
0x192: {  	v15 =	vor.u32 $0x80, v15;
	v17 =	vld.idx.msk [tilespmem:v13+s24+$0x0], $0xffff;
	[tilespmem:s7+$0xFFFFFFE0] =	vst v8  }
0x193: {  	v4 =	vor.u32 $0x80, v4;
	[tilespmem:s7+$0x0] =	vst v9;
	v8 =	vld.idx.msk [tilespmem:v11+s24+$0x0], $0xffff  }
0x194: {  	v9 =	vor.u32 $0x80, v13;
	v13 =	vld.idx.msk [tilespmem:v19+s24+$0x0], $0xffff;
	[tilespmem:s7+$0x70] =	vst v12  }
0x195: {  	v12 =	vld.idx.msk [tilespmem:v10+s24+$0x0], $0xffff  }
0x196: {  	v20 =	vor.u32 $0x80, v11;
	v19 =	vor.u32 $0x80, v10;
	v18 =	vld [tilespmem:s10+$0x20];
	[tilespmem:s7+$0xFFFFFFD0] =	vst v16  }
0x197: {  	[tilespmem:s7+$0xFFFFFFA0] =	vst v5;
	v15 =	vld.idx.msk [tilespmem:v15+s24+$0x0], $0xffff  }
0x198: {  	v5 =	vand.u32 $0x7F, v6;
	v4 =	vld.idx.msk [tilespmem:v4+s24+$0x0], $0xffff;
	[tilespmem:s7+$0xFFFFFFB0] =	vst v17  }
.Ltmp7:
0x199: {  	v11 =	vor.u32 v5, v14;
	v10 =	vld.idx.msk [tilespmem:v9+s24+$0x0], $0xffff;
	[tilespmem:s7+$0xFFFFFFC0] =	vst v8;
	(pc) =	sbr.rel @p0 .LBB2_15-.Ltmp7, $4  }
0x19a: {  	v9 =	vld [tilespmem:s10+$0x0];
	[tilespmem:s7+$0x60] =	vst v13  }
0x19b: {  	v6 =	vshll.u32 v18, $0x1;
	[tilespmem:s7+$0xFFFFFF90] =	vst v12;
	v5 =	vld.idx.msk [tilespmem:v20+s24+$0x0], $0xffff  }
0x19c: {  	v12 =	vand.u32 $0xFFFFFF00, v6;
	v6 =	vld.idx.msk [tilespmem:v19+s24+$0x0], $0xffff  }
0x19d: {  	v13 =	vand.u32 $0x7F, v18;
	v8 =	vld [tilespmem:s10+$0xFFFFFFD0];
	[tilespmem:s7+$0x50] =	vst v15  }
0x19e: {  	_ =	sdelay $0x2  }
0x19f: {  	v14 =	vor.u32 $0x80, v11  }
0x1a0: {  	v47 =	vld.idx.msk [tilespmem:v11+s24+$0x0], $0xffff;
	v15 =	vshll.u32 v3, $0x1;
	v16 =	vor.u32 $0x80, v7;
	v12 =	vor.u32 v13, v12  }
0x1a1: {  	v3 =	vand.u32 $0x7F, v3;
	v49 =	vld.idx.msk [tilespmem:v7+s24+$0x0], $0xffff;
	v17 =	vand.u32 $0x7F, v2;
	v2 =	vshll.u32 v2, $0x1  }
0x1a2: {  	v50 =	vshll.u32 v1, $0x1;
	v1 =	vand.u32 $0x7F, v1;
	v15 =	vand.u32 $0xFFFFFF00, v15  }
0x1a3: {  	v48 =	vand.u32 $0x7F, v9;
	v2 =	vand.u32 $0xFFFFFF00, v2;
	v3 =	vor.u32 v3, v15  }
0x1a4: {  	s7 =	sadd.s32 $0x100, s7;
	[tilespmem:s11+$0x30] =	vst v10;
	v51 =	vshll.u32 v9, $0x1;
	v52 =	vand.u32 $0xFFFFFF00, v50;
	v2 =	vor.u32 v17, v2  }
0x1a5: {  	v1 =	vor.u32 v1, v52;
	v9 =	vand.u32 $0xFFFFFF00, v51;
	v53 =	vshll.u32 v8, $0x1;
	[tilespmem:s7+$0xFFFFFF80] =	vst v47;
	v54 =	vld.idx.msk [tilespmem:v12+s24+$0x0], $0xffff  }
0x1a6: {  	v9 =	vor.u32 v48, v9;
	v55 =	vand.u32 $0x7F, v8;
	v11 =	vand.u32 $0xFFFFFF00, v53;
	[tilespmem:s7+$0xFFFFFFF0] =	vst v49;
	v14 =	vld.idx.msk [tilespmem:v14+s24+$0x0], $0xffff  }
0x1a7: {  	[tilespmem:s11+$0x20] =	vst v4;
	v56 =	vor.u32 v55, v11;
	v7 =	vld.idx.msk [tilespmem:v16+s24+$0x0], $0xffff  }
0x1a8: {  	v57 =	vor.u32 $0x80, v12;
	[tilespmem:s11+$0x40] =	vst v5;
	v58 =	vld.idx.msk [tilespmem:v3+s24+$0x0], $0xffff  }
0x1a9: {  	[tilespmem:s11+$0x10] =	vst v6;
	v59 =	vld.idx.msk [tilespmem:v2+s24+$0x0], $0xffff;
	v3 =	vor.u32 $0x80, v3  }
0x1aa: {  	v60 =	vld.idx.msk [tilespmem:v1+s24+$0x0], $0xffff;
	v2 =	vor.u32 $0x80, v2;
	[tilespmem:s7+$0xFFFFFFE0] =	vst v54  }
0x1ab: {  	v1 =	vor.u32 $0x80, v1;
	v61 =	vld.idx.msk [tilespmem:v9+s24+$0x0], $0xffff;
	[tilespmem:s7+$0x0] =	vst v14  }
0x1ac: {  	v9 =	vor.u32 $0x80, v9;
	[tilespmem:s7+$0x70] =	vst v7;
	v62 =	vld.idx.msk [tilespmem:v56+s24+$0x0], $0xffff  }
0x1ad: {  	v4 =	vor.u32 $0x80, v56;
	v8 =	vld.idx.msk [tilespmem:v57+s24+$0x0], $0xffff;
	[tilespmem:s7+$0xFFFFFFD0] =	vst v58  }
0x1ae: {  	[tilespmem:s7+$0xFFFFFFB0] =	vst v59;
	v3 =	vld.idx.msk [tilespmem:v3+s24+$0x0], $0xffff  }
0x1af: {  	[tilespmem:s7+$0xFFFFFFA0] =	vst v60;
	v2 =	vld.idx.msk [tilespmem:v2+s24+$0x0], $0xffff  }
0x1b0: {  	v1 =	vld.idx.msk [tilespmem:v1+s24+$0x0], $0xffff;
	[tilespmem:s7+$0xFFFFFFC0] =	vst v61  }
0x1b1: {  	v63 =	vld.idx.msk [tilespmem:v9+s24+$0x0], $0xffff;
	[tilespmem:s7+$0xFFFFFF90] =	vst v62  }
0x1b2: {  	s22 =	sadd.s32 $0x1, s22;
	[tilespmem:s7+$0x60] =	vst v8;
	v4 =	vld.idx.msk [tilespmem:v4+s24+$0x0], $0xffff  }
0x1b3: {  	p0 =	sne.s32 s22, $0x10;
	[tilespmem:s7+$0x50] =	vst v3  }
.Ltmp8:
0x1b4: {  	[tilespmem:s7+$0x30] =	vst v2;
	(pc) =	sbr.rel @p0 .LBB2_4-.Ltmp8, $4  }
0x1b5: {  	[tilespmem:s7+$0x20] =	vst v1  }
0x1b6: {  	[tilespmem:s7+$0x40] =	vst v63  }
0x1b7: {  	s4 =	sadd.s32 s3, s4;
	[tilespmem:s7+$0x10] =	vst v4  }
0x1b8: {  	[hbm4b:s4+s17] =	stream.strided.scatter [tilespmem:s29], [sflag:$0x6], $0x4000, s18, s17, $0x38;
	[tilespmem:$0x1A000] =	vst v63  }
0x1b9: {  	_ =	swait.ge [sflag:s31], $0x4000  }
0x1ba: {  	[sflag:s31] =	ssyncset.done $0x0  }
0x1bb: {  	[sflag:s31] =	ssyncadd.s32 $0xFFFFC000  }
0x1bc: {  	_ =	swait.ge [sflag:s28], $0x4000  }
0x1bd: {  	s0 =	sadd.s32 $0x1, s0;
	s4 =	rddreg [dreg:$0x8]  }
0x1be: {  	p0 =	sne.s32 s0, s4  }
.Ltmp9:
0x1bf: {  	_ = 	snop;
	(pc) =	sbr.rel @p0 .LBB2_1-.Ltmp9, $3  }
0x1c0: {  	_ =	sdelay $0x1  }
0x1c1: {  	[sflag:s28] =	ssyncset.done $0x0  }
0x1c2: {  	[sflag:s28] =	ssyncadd.s32 $0xFFFFC000  }
0x1c3: {  	_ =	sfence.sel $0x180000  }
0x1c4: {  	[bflag:$0x0] =	sbarrier.arrive $0xFFFF  }
0x1c5: {  	_ =	strace $0x90000047  }
0x1c6: {  	s0 =	stileid.u32;
	[bflag:$0x2] =	sbarrier.arrive $0xFFFF  }
0x1c7: {  	p0 =	sne.s32 s0, $0x0;
	s0 =	rddreg [dreg:$0x3]  }
0x1c8: {  	s0 =	sadd.s32 @!p0 $0x100000, s0  }
0x1c9: {  	[sflag:s0] =	ssyncadd.tile.s32 @!p0 $0x1;
	_ =	shalt  }
.Lfunc_end2:
_tile_overlayer_lowered:
.L_overlay_start_2:
0x1ca: {  	(tag) =	ssettag $0x2  }
0x1cb: {  	s0 =	rddreg [dreg:$0x0];
	s2 =	stileid.u32  }
0x1cc: {  	s1 =	rddreg [dreg:$0x1];
	p0 =	sne.s32 s2, $0x0  }
0x1cd: {  	s3 =	rddreg [dreg:$0x2];
	[bflag:$0x3] =	sbarrier.arrive $0xFFFF;
	s2 =	simm.s32 @!p0 $0x1C07  }
0x1ce: {  	[timem:s3], [sflag:s2] =	dma.local @!p0 [hbm:s0], s1  }
0x1cf: {  	s0 =	simm.s32 @!p0 $0x7  }
0x1d0: {  	_ =	swait.ge @!p0 [sflag:s0], s1  }
0x1d1: {  	s1 =	ssub.s32 @!p0 $0x0, s1;
	[sflag:s0] =	ssyncset.done @!p0 $0x0  }
0x1d2: {  	[sflag:s0] =	ssyncadd.s32 @!p0 s1  }
0x1d3: {  	[bflag:$0x3] =	sbarrier.arrive $0xFFFF  }
0x1d4: {  	_ =	shalt  }

</sc_bundles>
